<compile_context>
chip_gen: v7x
topology: tpu7x:2x2x1
jax: 0.10.2.dev20260603
libtpu: 0.0.44.dev20260713+nightly
codegen_flags: <defaults>
</compile_context>

<pallas_src>
import functools

import jax
import jax.numpy as jnp
from jax import lax
from jax.experimental import pallas as pl
from jax.experimental.pallas import tpu as pltpu
from jax.experimental.pallas import tpu_sc as plsc

N = 10000
E = 640000
F0 = 112
DIM = 32
G = 128

NC, NS = 2, 16
LANES = 16
CH = 16000

@functools.cache
def _make_sc_agg(ft, n_fg, esplit):
    e_per = E // esplit
    nchunks = e_per // CH

    def body(tab_hbm, ep_hbm, out_hbm, tab, acc, ebuf0, ebuf1, sem0, sem1):
        wid = lax.axis_index("s") * NC + lax.axis_index("c")
        fg = wid % n_fg
        es = wid // n_fg

        @pl.when(wid < n_fg * esplit)
        def _():
            pltpu.sync_copy(tab_hbm.at[pl.ds(fg * ft, ft), :], tab)

            def zero_body(i, carry):
                for k in range(ft):
                    acc[k, pl.ds(i * LANES, LANES)] = jnp.zeros(
                        (LANES,), jnp.float32)
                return carry
            lax.fori_loop(0, N // LANES, zero_body, 0)

            ebase = es * e_per

            def consume(ebuf):
                @plsc.parallel_loop(0, CH // LANES, 1, unroll=8)
                def _groups(g2):
                    v = ebuf[pl.ds(g2 * LANES, LANES)]
                    s = v & 0xFFFF
                    d = lax.shift_right_logical(v, 16)
                    for k in range(ft):
                        kv = jnp.full((LANES,), k, jnp.int32)
                        plsc.addupdate_scatter(
                            acc, [kv, d], plsc.load_gather(tab, [kv, s]))

            def chunk_at(c):
                return ep_hbm.at[pl.ds(ebase + c * CH, CH)]

            pltpu.async_copy(chunk_at(0), ebuf0, sem0)

            def chunk_body(c2, carry):
                c = c2 * 2
                pltpu.async_copy(chunk_at(c + 1), ebuf1, sem1)
                pltpu.make_async_copy(chunk_at(c), ebuf0, sem0).wait()
                consume(ebuf0)

                @pl.when(c2 < nchunks // 2 - 1)
                def _():
                    pltpu.async_copy(chunk_at(c + 2), ebuf0, sem0)
                pltpu.make_async_copy(chunk_at(c + 1), ebuf1, sem1).wait()
                consume(ebuf1)
                return carry
            lax.fori_loop(0, nchunks // 2, chunk_body, 0)

            pltpu.sync_copy(acc, out_hbm.at[es, fg])

    mesh = plsc.VectorSubcoreMesh(
        core_axis_name="c", subcore_axis_name="s",
        num_cores=NC, num_subcores=NS)
    return pl.kernel(
        body,
        out_type=jax.ShapeDtypeStruct((esplit, n_fg, ft, N), jnp.float32),
        mesh=mesh,
        compiler_params=pltpu.CompilerParams(
            use_tc_tiling_on_sc=False, needs_layout_passes=False),
        scratch_types=[
            pltpu.VMEM((ft, N), jnp.float32),
            pltpu.VMEM((ft, N), jnp.float32),
            pltpu.VMEM((CH,), jnp.int32),
            pltpu.VMEM((CH,), jnp.int32),
            pltpu.SemaphoreType.DMA,
            pltpu.SemaphoreType.DMA,
        ],
    )


def _prep_body(x_ref, e_ref, xT_ref, ep_ref):
    xT_ref[...] = x_ref[...].T
    s = e_ref[0, :]
    d = e_ref[1, :]
    ep_ref[...] = jnp.bitwise_or(s, d << 16)


_prep = pl.pallas_call(
    _prep_body,
    out_shape=(jax.ShapeDtypeStruct((F0, N), jnp.float32),
               jax.ShapeDtypeStruct((E,), jnp.int32)),
)


def _dot_bf16(a, b):
    return jnp.dot(a.astype(jnp.bfloat16), b.astype(jnp.bfloat16),
                   preferred_element_type=jnp.float32)


def _bn_t(h, g_col, be_col):
    m = jnp.mean(h, axis=1, keepdims=True)
    var = jnp.mean((h - m) ** 2, axis=1, keepdims=True)
    return (h - m) * lax.rsqrt(var + 1e-5) * g_col + be_col


def _mlp1_body(xT_ref, aggT_ref, W1T_ref, b1_ref, W2T_ref, b2_ref,
               g1_ref, be1_ref, hT_ref):
    u = xT_ref[...] + aggT_ref[...]
    h = _dot_bf16(W1T_ref[...], u)
    h = jnp.maximum(h + b1_ref[...], 0.0)
    h = _dot_bf16(W2T_ref[...], h)
    h = jnp.maximum(h + b2_ref[...], 0.0)
    hT_ref[...] = _bn_t(h, g1_ref[...], be1_ref[...])


_mlp1 = pl.pallas_call(
    _mlp1_body,
    out_shape=jax.ShapeDtypeStruct((F0, N), jnp.float32),
)


def _tail_body(hT_ref, agg2_ref, W3T_ref, b3_ref, W4T_ref, b4_ref,
               g2_ref, be2_ref,
               batch_ref, WxdT_ref, bxd_ref, Wf1T_ref, bf1_ref,
               Wf2T_ref, bf2_ref, Wf3T_ref, bf3_ref, Wf4T_ref, bf4_ref,
               Wf5T_ref, bf5_ref, out_ref):
    h2in = hT_ref[...] + agg2_ref[...]
    q = jnp.maximum(_dot_bf16(W3T_ref[...], h2in) + b3_ref[...], 0.0)
    h2 = _dot_bf16(W4T_ref[...], q)
    h2 = jnp.maximum(h2 + b4_ref[...], 0.0)
    h2 = _bn_t(h2, g2_ref[...], be2_ref[...])
    seg = lax.broadcasted_iota(jnp.int32, (N, G), 1)
    P = (batch_ref[...] == seg).astype(jnp.float32)
    pooledT = jnp.dot(h2, P, preferred_element_type=jnp.float32,
                precision=lax.Precision.HIGHEST)
    z = _dot_bf16(WxdT_ref[...], pooledT)
    z = jnp.maximum(z + bxd_ref[...], 0.0)
    z = _dot_bf16(Wf1T_ref[...], z) + bf1_ref[...]
    z = _dot_bf16(Wf2T_ref[...], z) + bf2_ref[...]
    z = _dot_bf16(Wf3T_ref[...], z) + bf3_ref[...]
    z = _dot_bf16(Wf4T_ref[...], z) + bf4_ref[...]
    z = _dot_bf16(Wf5T_ref[...], z) + bf5_ref[...]
    out_ref[...] = z


_tail = pl.pallas_call(
    _tail_body,
    out_shape=jax.ShapeDtypeStruct((1, G), jnp.float32),
)


def kernel(x, edge_index, batch, W1, b1, W2, b2, g1, be1, W3, b3, W4, b4,
           g2, be2, Wxd, bxd, Wf1, bf1, Wf2, bf2, Wf3, bf3, Wf4, bf4,
           Wf5, bf5):
    col = lambda v: v.reshape(-1, 1)
    xT, ep = _prep(x, edge_index)
    agg1T = _make_sc_agg(4, 28, 1)(xT, ep).reshape(F0, N)
    hT = _mlp1(xT, agg1T, W1.T, col(b1), W2.T, col(b2), col(g1), col(be1))
    agg2T = _make_sc_agg(4, 28, 1)(hT, ep).reshape(F0, N)
    z = _tail(hT, agg2T, W3.T, col(b3), W4.T, col(b4), col(g2), col(be2),
              batch.reshape(N, 1), Wxd.T, col(bxd), Wf1.T, col(bf1),
              Wf2.T, col(bf2), Wf3.T, col(bf3), Wf4.T, col(bf4),
              Wf5.T, col(bf5))
    return z.reshape(G, 1)

# --- scband reference (transcript-rebuilt; emitter-appended) ---
"""Pipeline reference for scband-ginconv-net-63402307224307 (READ-ONLY COPY).

The authoritative reference and input builder live on the scoring server;
editing this copy changes nothing except your own understanding.
"""

import jax, jax.numpy as jnp
import numpy as np

N, E, F0, DIM, OUT, G = 10000, 640000, 112, 32, 64, 128

def _lin(k, fi, fo):
    kw, kb = jax.random.split(k)
    W = jax.random.normal(kw, (fi, fo), dtype=jnp.float32) * (1.0 / np.sqrt(fi))
    b = jax.random.normal(kb, (fo,), dtype=jnp.float32) * 0.01
    return W, b

def setup_inputs(seed: int = 0):
    key = jax.random.key(seed)
    ks = jax.random.split(key, 16)
    x = jax.random.normal(ks[0], (N, F0), dtype=jnp.float32)
    edge_index = jax.random.randint(ks[1], (2, E), 0, N, dtype=jnp.int32)
    batch = jnp.sort(jax.random.randint(ks[2], (N,), 0, G, dtype=jnp.int32))
    W1, b1 = _lin(ks[3], F0, F0)
    W2, b2 = _lin(ks[4], F0, F0)
    g1 = jnp.ones((F0,), jnp.float32); be1 = jnp.zeros((F0,), jnp.float32)
    W3, b3 = _lin(ks[5], F0, DIM)
    W4, b4 = _lin(ks[6], DIM, DIM)
    g2 = jnp.ones((DIM,), jnp.float32); be2 = jnp.zeros((DIM,), jnp.float32)
    Wxd, bxd = _lin(ks[7], DIM, OUT)
    Wf1, bf1 = _lin(ks[8], 64, 32)
    Wf2, bf2 = _lin(ks[9], 32, 16)
    Wf3, bf3 = _lin(ks[10], 16, 8)
    Wf4, bf4 = _lin(ks[11], 8, 2)
    Wf5, bf5 = _lin(ks[12], 2, 1)
    return {"x": x, "edge_index": edge_index, "batch": batch,
            "W1": W1, "b1": b1, "W2": W2, "b2": b2, "g1": g1, "be1": be1,
            "W3": W3, "b3": b3, "W4": W4, "b4": b4, "g2": g2, "be2": be2,
            "Wxd": Wxd, "bxd": bxd,
            "Wf1": Wf1, "bf1": bf1, "Wf2": Wf2, "bf2": bf2,
            "Wf3": Wf3, "bf3": bf3, "Wf4": Wf4, "bf4": bf4,
            "Wf5": Wf5, "bf5": bf5}

def _bn(h, g, b):
    mean = jnp.mean(h, axis=0)
    var = jnp.var(h, axis=0)
    return (h - mean) / jnp.sqrt(var + 1e-5) * g + b

def reference(x, edge_index, batch, W1, b1, W2, b2, g1, be1, W3, b3, W4, b4, g2, be2, Wxd, bxd, Wf1, bf1, Wf2, bf2, Wf3, bf3, Wf4, bf4, Wf5, bf5):
    src, dst = edge_index[0], edge_index[1]
    # GINConv 1: h = MLP((1+eps)*x + sum_{j in N(i)} x_j), eps=0
    agg = jax.ops.segment_sum(x[src], dst, num_segments=N)
    h = x + agg
    h = jnp.maximum(h @ W1 + b1, 0.0) @ W2 + b2
    h = jnp.maximum(h, 0.0)
    h = _bn(h, g1, be1)
    # GINConv 2
    agg = jax.ops.segment_sum(h[src], dst, num_segments=N)
    h2 = h + agg
    h2 = jnp.maximum(h2 @ W3 + b3, 0.0) @ W4 + b4
    h2 = jnp.maximum(h2, 0.0)
    h2 = _bn(h2, g2, be2)
    # global_add_pool
    pooled = jax.ops.segment_sum(h2, batch, num_segments=G)
    z = jnp.maximum(pooled @ Wxd + bxd, 0.0)
    # dropout omitted (deterministic eval behavior)
    z = z @ Wf1 + bf1
    z = z @ Wf2 + bf2
    z = z @ Wf3 + bf3
    z = z @ Wf4 + bf4
    z = z @ Wf5 + bf5
    return z

if __name__ == "__main__":
    import jax
    _d = setup_inputs()
    print(jax.jit(kernel)(*tuple(_d.values())))

</pallas_src>

<mosaic_0001>
#map = affine_map<(d0, d1) -> (0, 0)>
#map1 = affine_map<(d0, d1) -> (0)>
#map2 = affine_map<(d0, d1) -> (0, 0, 0, 0)>
module attributes {stable_mosaic.version = 14 : i64} {
  func.func @body(%arg0: i32, %arg1: i32, %arg2: memref<112x10000xf32, #tpu.memory_space<hbm>>, %arg3: memref<640000xi32, #tpu.memory_space<hbm>>, %arg4: memref<1x28x4x10000xf32, #tpu.memory_space<hbm>>, %arg5: memref<4x10000xf32, #tpu.memory_space<vmem>>, %arg6: memref<4x10000xf32, #tpu.memory_space<vmem>>, %arg7: memref<16000xi32, #tpu.memory_space<vmem>>, %arg8: memref<16000xi32, #tpu.memory_space<vmem>>, %arg9: memref<!tpu.dma_semaphore, #tpu.memory_space<semaphore_mem>>, %arg10: memref<!tpu.dma_semaphore, #tpu.memory_space<semaphore_mem>>) attributes {dimension_semantics = [#tpu.dimension_semantics<core_parallel>, #tpu.dimension_semantics<subcore_parallel>], iteration_bounds = array<i64: 2, 16>, scalar_prefetch = 0 : i64, scratch_operands = 6 : i64, tpu.core_type = #tpu.core_type<sc_vector_subcore>, window_params = [{transform_indices = #map}, {transform_indices = #map1}, {transform_indices = #map2}]} {
    %mul3A = arith.constant 2 : i32
    %mul3A_0 = arith.muli %arg1, %mul3A : i32
    %add3A = arith.addi %mul3A_0, %arg0 : i32
    %jit3A = arith.constant 28 : i32
    %eq3A = arith.constant 0 : i32
    %eq3A_1 = arith.cmpi eq, %jit3A, %eq3A : i32
    %jit3A_2 = arith.constant 1 : i32
    %select_n3A = arith.select %eq3A_1, %jit3A_2, %jit3A : i32
    %rem3A = arith.remsi %add3A, %select_n3A : i32
    %ne3A = arith.constant 0 : i32
    %ne3A_3 = arith.cmpi ne, %rem3A, %ne3A : i32
    %lt3A = arith.constant 0 : i32
    %lt3A_4 = arith.cmpi slt, %rem3A, %lt3A : i32
    %lt3A_5 = arith.constant 0 : i32
    %lt3A_6 = arith.cmpi slt, %select_n3A, %lt3A_5 : i32
    %ne3A_7 = arith.xori %lt3A_4, %lt3A_6 : i1
    %and3A = arith.andi %ne3A_7, %ne3A_3 : i1
    %add3A_8 = arith.addi %rem3A, %select_n3A : i32
    %select_n3A_9 = arith.select %and3A, %add3A_8, %rem3A : i32
    %jit3A_10 = arith.constant 28 : i32
    %div3A = arith.divsi %add3A, %jit3A_10 : i32
    %sign3A = arith.constant 0 : i32
    %sign3A_11 = arith.cmpi sgt, %add3A, %sign3A : i32
    %sign3A_12 = arith.extui %sign3A_11 : i1 to i32
    %sign3A_13 = arith.constant 0 : i32
    %sign3A_14 = arith.cmpi slt, %add3A, %sign3A_13 : i32
    %sign3A_15 = arith.extui %sign3A_14 : i1 to i32
    %sign3A_16 = arith.subi %sign3A_12, %sign3A_15 : i32
    %sign3A_17 = arith.constant 0 : i32
    %sign3A_18 = arith.cmpi sgt, %jit3A_10, %sign3A_17 : i32
    %sign3A_19 = arith.extui %sign3A_18 : i1 to i32
    %sign3A_20 = arith.constant 0 : i32
    %sign3A_21 = arith.cmpi slt, %jit3A_10, %sign3A_20 : i32
    %sign3A_22 = arith.extui %sign3A_21 : i1 to i32
    %sign3A_23 = arith.subi %sign3A_19, %sign3A_22 : i32
    %ne3A_24 = arith.cmpi ne, %sign3A_16, %sign3A_23 : i32
    %rem3A_25 = arith.remsi %add3A, %jit3A_10 : i32
    %ne3A_26 = arith.constant 0 : i32
    %ne3A_27 = arith.cmpi ne, %rem3A_25, %ne3A_26 : i32
    %and3A_28 = arith.andi %ne3A_24, %ne3A_27 : i1
    %sub3A = arith.constant 1 : i32
    %sub3A_29 = arith.subi %div3A, %sub3A : i32
    %select_n3A_30 = arith.select %and3A_28, %sub3A_29, %div3A : i32
    %lt3A_31 = arith.constant 28 : i32
    %lt3A_32 = arith.cmpi slt, %add3A, %lt3A_31 : i32
    %convert_element_type3A = arith.extui %lt3A_32 : i1 to i32
    %cond3A = arith.constant 0 : i32
    %cond3A_33 = arith.cmpi ne, %convert_element_type3A, %cond3A : i32
    scf.if %cond3A_33 {
      %mul3A_34 = arith.constant 4 : i32
      %mul3A_35 = arith.muli %select_n3A_9, %mul3A_34 : i32
      "tpu.region"() ({
        %run_scoped3A = tpu.sem_alloc : memref<!tpu.dma_semaphore, #tpu.memory_space<semaphore_mem>>
        %dma_start3A_52 = arith.constant 0 : i32
        %dma_start3A_53 = tpu.memref_slice %arg2[%mul3A_35, %dma_start3A_52] : memref<112x10000xf32, #tpu.memory_space<hbm>> -> memref<4x10000xf32, #tpu.memory_space<hbm>>
        %dma_start3A_54 = arith.constant 0 : i32
        %dma_start3A_55 = tpu.memref_slice %arg2[%mul3A_35, %dma_start3A_54] : memref<112x10000xf32, #tpu.memory_space<hbm>> -> memref<4x10000xf32, #tpu.memory_space<hbm>>
        tpu.enqueue_dma source(%dma_start3A_55 : memref<4x10000xf32, #tpu.memory_space<hbm>>) target(%arg5 : memref<4x10000xf32, #tpu.memory_space<vmem>>) target_semaphore(%run_scoped3A : memref<!tpu.dma_semaphore, #tpu.memory_space<semaphore_mem>>)
        %dma_wait3A = arith.constant 0 : i32
        %dma_wait3A_56 = tpu.memref_slice %arg2[%mul3A_35, %dma_wait3A] : memref<112x10000xf32, #tpu.memory_space<hbm>> -> memref<4x10000xf32, #tpu.memory_space<hbm>>
        %dma_wait3A_57 = arith.constant 0 : i32
        %dma_wait3A_58 = tpu.memref_slice %arg2[%mul3A_35, %dma_wait3A_57] : memref<112x10000xf32, #tpu.memory_space<hbm>> -> memref<4x10000xf32, #tpu.memory_space<hbm>>
        tpu.wait_dma2 semaphore(%run_scoped3A : memref<!tpu.dma_semaphore, #tpu.memory_space<semaphore_mem>>) src(%dma_wait3A_58 : memref<4x10000xf32, #tpu.memory_space<hbm>>) dst(%arg5 : memref<4x10000xf32, #tpu.memory_space<vmem>>)
        tpu.yield
      }) : () -> ()
      %scan3A = arith.constant 0 : i32
      %scan3A_36 = arith.constant 0 : i32
      %scan3A_37 = arith.constant 625 : i32
      %scan3A_38 = arith.addi %scan3A_36, %scan3A_37 : i32
      %scan3A_39 = arith.constant 1 : i32
      scf.for %scan3A_52 = %scan3A_36 to %scan3A_38 step %scan3A_39  : i32 {
        %broadcast_in_dim3A = arith.constant 0.000000e+00 : f32
        %broadcast_in_dim3A_53 = vector.broadcast %broadcast_in_dim3A : f32 to vector<16xf32>
        %mul3A_54 = arith.constant 16 : i32
        %mul3A_55 = arith.muli %scan3A_52, %mul3A_54 : i32
        %swap3A = arith.constant 0 : i32
        %swap3A_56 = arith.index_cast %swap3A : i32 to index
        %swap3A_57 = arith.index_cast %mul3A_55 : i32 to index
        %swap3A_58 = tpu.vector_load %arg6[%swap3A_56, %swap3A_57] {strides = array<i32>} : memref<4x10000xf32, #tpu.memory_space<vmem>>, vector<16xf32>,
        tpu.vector_store %arg6[%swap3A_56, %swap3A_57], %broadcast_in_dim3A_53 {strides = array<i32>} : memref<4x10000xf32, #tpu.memory_space<vmem>>, vector<16xf32>,
        %broadcast_in_dim3A_59 = arith.constant 0.000000e+00 : f32
        %broadcast_in_dim3A_60 = vector.broadcast %broadcast_in_dim3A_59 : f32 to vector<16xf32>
        %mul3A_61 = arith.constant 16 : i32
        %mul3A_62 = arith.muli %scan3A_52, %mul3A_61 : i32
        %swap3A_63 = arith.constant 1 : i32
        %swap3A_64 = arith.index_cast %swap3A_63 : i32 to index
        %swap3A_65 = arith.index_cast %mul3A_62 : i32 to index
        %swap3A_66 = tpu.vector_load %arg6[%swap3A_64, %swap3A_65] {strides = array<i32>} : memref<4x10000xf32, #tpu.memory_space<vmem>>, vector<16xf32>,
        tpu.vector_store %arg6[%swap3A_64, %swap3A_65], %broadcast_in_dim3A_60 {strides = array<i32>} : memref<4x10000xf32, #tpu.memory_space<vmem>>, vector<16xf32>,
        %broadcast_in_dim3A_67 = arith.constant 0.000000e+00 : f32
        %broadcast_in_dim3A_68 = vector.broadcast %broadcast_in_dim3A_67 : f32 to vector<16xf32>
        %mul3A_69 = arith.constant 16 : i32
        %mul3A_70 = arith.muli %scan3A_52, %mul3A_69 : i32
        %swap3A_71 = arith.constant 2 : i32
        %swap3A_72 = arith.index_cast %swap3A_71 : i32 to index
        %swap3A_73 = arith.index_cast %mul3A_70 : i32 to index
        %swap3A_74 = tpu.vector_load %arg6[%swap3A_72, %swap3A_73] {strides = array<i32>} : memref<4x10000xf32, #tpu.memory_space<vmem>>, vector<16xf32>,
        tpu.vector_store %arg6[%swap3A_72, %swap3A_73], %broadcast_in_dim3A_68 {strides = array<i32>} : memref<4x10000xf32, #tpu.memory_space<vmem>>, vector<16xf32>,
        %broadcast_in_dim3A_75 = arith.constant 0.000000e+00 : f32
        %broadcast_in_dim3A_76 = vector.broadcast %broadcast_in_dim3A_75 : f32 to vector<16xf32>
        %mul3A_77 = arith.constant 16 : i32
        %mul3A_78 = arith.muli %scan3A_52, %mul3A_77 : i32
        %swap3A_79 = arith.constant 3 : i32
        %swap3A_80 = arith.index_cast %swap3A_79 : i32 to index
        %swap3A_81 = arith.index_cast %mul3A_78 : i32 to index
        %swap3A_82 = tpu.vector_load %arg6[%swap3A_80, %swap3A_81] {strides = array<i32>} : memref<4x10000xf32, #tpu.memory_space<vmem>>, vector<16xf32>,
        tpu.vector_store %arg6[%swap3A_80, %swap3A_81], %broadcast_in_dim3A_76 {strides = array<i32>} : memref<4x10000xf32, #tpu.memory_space<vmem>>, vector<16xf32>,
      }
      %scan3A_40 = arith.constant 625 : i32
      %mul3A_41 = arith.constant 640000 : i32
      %mul3A_42 = arith.muli %select_n3A_30, %mul3A_41 : i32
      %add3A_43 = arith.constant 0 : i32
      %add3A_44 = arith.addi %mul3A_42, %add3A_43 : i32
      %dma_start3A = tpu.memref_slice %arg3[%add3A_44] : memref<640000xi32, #tpu.memory_space<hbm>> -> memref<16000xi32, #tpu.memory_space<hbm>>
      %dma_start3A_45 = tpu.memref_slice %arg3[%add3A_44] : memref<640000xi32, #tpu.memory_space<hbm>> -> memref<16000xi32, #tpu.memory_space<hbm>>
      tpu.enqueue_dma source(%dma_start3A_45 : memref<16000xi32, #tpu.memory_space<hbm>>) target(%arg7 : memref<16000xi32, #tpu.memory_space<vmem>>) target_semaphore(%arg9 : memref<!tpu.dma_semaphore, #tpu.memory_space<semaphore_mem>>)
      %scan3A_46 = arith.constant 0 : i32
      %scan3A_47 = arith.constant 0 : i32
      %scan3A_48 = arith.constant 20 : i32
      %scan3A_49 = arith.addi %scan3A_47, %scan3A_48 : i32
      %scan3A_50 = arith.constant 1 : i32
      scf.for %scan3A_52 = %scan3A_47 to %scan3A_49 step %scan3A_50  : i32 {
        %mul3A_53 = arith.constant 2 : i32
        %mul3A_54 = arith.muli %scan3A_52, %mul3A_53 : i32
        %add3A_55 = arith.constant 1 : i32
        %add3A_56 = arith.addi %mul3A_54, %add3A_55 : i32
        %mul3A_57 = arith.constant 16000 : i32
        %mul3A_58 = arith.muli %add3A_56, %mul3A_57 : i32
        %add3A_59 = arith.addi %mul3A_42, %mul3A_58 : i32
        %dma_start3A_60 = tpu.memref_slice %arg3[%add3A_59] : memref<640000xi32, #tpu.memory_space<hbm>> -> memref<16000xi32, #tpu.memory_space<hbm>>
        %dma_start3A_61 = tpu.memref_slice %arg3[%add3A_59] : memref<640000xi32, #tpu.memory_space<hbm>> -> memref<16000xi32, #tpu.memory_space<hbm>>
        tpu.enqueue_dma source(%dma_start3A_61 : memref<16000xi32, #tpu.memory_space<hbm>>) target(%arg8 : memref<16000xi32, #tpu.memory_space<vmem>>) target_semaphore(%arg10 : memref<!tpu.dma_semaphore, #tpu.memory_space<semaphore_mem>>)
        %mul3A_62 = arith.constant 16000 : i32
        %mul3A_63 = arith.muli %mul3A_54, %mul3A_62 : i32
        %add3A_64 = arith.addi %mul3A_42, %mul3A_63 : i32
        %dma_wait3A = tpu.memref_slice %arg3[%add3A_64] : memref<640000xi32, #tpu.memory_space<hbm>> -> memref<16000xi32, #tpu.memory_space<hbm>>
        %dma_wait3A_65 = tpu.memref_slice %arg3[%add3A_64] : memref<640000xi32, #tpu.memory_space<hbm>> -> memref<16000xi32, #tpu.memory_space<hbm>>
        tpu.wait_dma2 semaphore(%arg9 : memref<!tpu.dma_semaphore, #tpu.memory_space<semaphore_mem>>) src(%dma_wait3A_65 : memref<16000xi32, #tpu.memory_space<hbm>>) dst(%arg7 : memref<16000xi32, #tpu.memory_space<vmem>>)
        %parallel_loop3A = arith.constant 0 : i32
        %parallel_loop3A_66 = arith.constant 1000 : i32
        %parallel_loop3A_67 = arith.constant 1 : i32
        scf.for %parallel_loop3A_83 = %parallel_loop3A to %parallel_loop3A_66 step %parallel_loop3A_67  : i32 {
          %parallel_loop3A_84 = arith.constant 16 : i32
          %parallel_loop3A_85 = arith.muli %parallel_loop3A_83, %parallel_loop3A_84 : i32
          %parallel_loop3A_86 = arith.index_cast %parallel_loop3A_85 : i32 to index
          %parallel_loop3A_87 = tpu.vector_load %arg7[%parallel_loop3A_86] {strides = array<i32>} : memref<16000xi32, #tpu.memory_space<vmem>>, vector<16xi32>,
          %parallel_loop3A_88 = arith.constant 65535 : i32
          %parallel_loop3A_89 = vector.broadcast %parallel_loop3A_88 : i32 to vector<16xi32>
          %parallel_loop3A_90 = arith.andi %parallel_loop3A_87, %parallel_loop3A_89 : vector<16xi32>
          %parallel_loop3A_91 = arith.constant 16 : i32
          %parallel_loop3A_92 = vector.broadcast %parallel_loop3A_91 : i32 to vector<16xi32>
          %parallel_loop3A_93 = arith.shrui %parallel_loop3A_87, %parallel_loop3A_92 : vector<16xi32>
          %parallel_loop3A_94 = arith.constant 0 : i32
          %parallel_loop3A_95 = vector.broadcast %parallel_loop3A_94 : i32 to vector<16xi32>
          %parallel_loop3A_96 = tpu.vector_load_idx %arg5[%parallel_loop3A_95, %parallel_loop3A_90] : memref<4x10000xf32, #tpu.memory_space<vmem>>[vector<16xi32>, vector<16xi32>], vector<16xf32>,
          tpu.vector_store_idx %arg6[%parallel_loop3A_95, %parallel_loop3A_93], %parallel_loop3A_96 {add = true} : memref<4x10000xf32, #tpu.memory_space<vmem>>[vector<16xi32>, vector<16xi32>], vector<16xf32>,
          %parallel_loop3A_97 = arith.constant 1 : i32
          %parallel_loop3A_98 = vector.broadcast %parallel_loop3A_97 : i32 to vector<16xi32>
          %parallel_loop3A_99 = tpu.vector_load_idx %arg5[%parallel_loop3A_98, %parallel_loop3A_90] : memref<4x10000xf32, #tpu.memory_space<vmem>>[vector<16xi32>, vector<16xi32>], vector<16xf32>,
          tpu.vector_store_idx %arg6[%parallel_loop3A_98, %parallel_loop3A_93], %parallel_loop3A_99 {add = true} : memref<4x10000xf32, #tpu.memory_space<vmem>>[vector<16xi32>, vector<16xi32>], vector<16xf32>,
          %parallel_loop3A_100 = arith.constant 2 : i32
          %parallel_loop3A_101 = vector.broadcast %parallel_loop3A_100 : i32 to vector<16xi32>
          %parallel_loop3A_102 = tpu.vector_load_idx %arg5[%parallel_loop3A_101, %parallel_loop3A_90] : memref<4x10000xf32, #tpu.memory_space<vmem>>[vector<16xi32>, vector<16xi32>], vector<16xf32>,
          tpu.vector_store_idx %arg6[%parallel_loop3A_101, %parallel_loop3A_93], %parallel_loop3A_102 {add = true} : memref<4x10000xf32, #tpu.memory_space<vmem>>[vector<16xi32>, vector<16xi32>], vector<16xf32>,
          %parallel_loop3A_103 = arith.constant 3 : i32
          %parallel_loop3A_104 = vector.broadcast %parallel_loop3A_103 : i32 to vector<16xi32>
          %parallel_loop3A_105 = tpu.vector_load_idx %arg5[%parallel_loop3A_104, %parallel_loop3A_90] : memref<4x10000xf32, #tpu.memory_space<vmem>>[vector<16xi32>, vector<16xi32>], vector<16xf32>,
          tpu.vector_store_idx %arg6[%parallel_loop3A_104, %parallel_loop3A_93], %parallel_loop3A_105 {add = true} : memref<4x10000xf32, #tpu.memory_space<vmem>>[vector<16xi32>, vector<16xi32>], vector<16xf32>,
        } {sc.loop_unroll_factor = 8 : i64, sc.parallel_access}
        %lt3A_68 = arith.constant 19 : i32
        %lt3A_69 = arith.cmpi slt, %scan3A_52, %lt3A_68 : i32
        %convert_element_type3A_70 = arith.extui %lt3A_69 : i1 to i32
        %cond3A_71 = arith.constant 0 : i32
        %cond3A_72 = arith.cmpi ne, %convert_element_type3A_70, %cond3A_71 : i32
        scf.if %cond3A_72 {
          %add3A_83 = arith.constant 2 : i32
          %add3A_84 = arith.addi %mul3A_54, %add3A_83 : i32
          %mul3A_85 = arith.constant 16000 : i32
          %mul3A_86 = arith.muli %add3A_84, %mul3A_85 : i32
          %add3A_87 = arith.addi %mul3A_42, %mul3A_86 : i32
          %dma_start3A_88 = tpu.memref_slice %arg3[%add3A_87] : memref<640000xi32, #tpu.memory_space<hbm>> -> memref<16000xi32, #tpu.memory_space<hbm>>
          %dma_start3A_89 = tpu.memref_slice %arg3[%add3A_87] : memref<640000xi32, #tpu.memory_space<hbm>> -> memref<16000xi32, #tpu.memory_space<hbm>>
          tpu.enqueue_dma source(%dma_start3A_89 : memref<16000xi32, #tpu.memory_space<hbm>>) target(%arg7 : memref<16000xi32, #tpu.memory_space<vmem>>) target_semaphore(%arg9 : memref<!tpu.dma_semaphore, #tpu.memory_space<semaphore_mem>>)
        } else {
        }
        %add3A_73 = arith.constant 1 : i32
        %add3A_74 = arith.addi %mul3A_54, %add3A_73 : i32
        %mul3A_75 = arith.constant 16000 : i32
        %mul3A_76 = arith.muli %add3A_74, %mul3A_75 : i32
        %add3A_77 = arith.addi %mul3A_42, %mul3A_76 : i32
        %dma_wait3A_78 = tpu.memref_slice %arg3[%add3A_77] : memref<640000xi32, #tpu.memory_space<hbm>> -> memref<16000xi32, #tpu.memory_space<hbm>>
        %dma_wait3A_79 = tpu.memref_slice %arg3[%add3A_77] : memref<640000xi32, #tpu.memory_space<hbm>> -> memref<16000xi32, #tpu.memory_space<hbm>>
        tpu.wait_dma2 semaphore(%arg10 : memref<!tpu.dma_semaphore, #tpu.memory_space<semaphore_mem>>) src(%dma_wait3A_79 : memref<16000xi32, #tpu.memory_space<hbm>>) dst(%arg8 : memref<16000xi32, #tpu.memory_space<vmem>>)
        %parallel_loop3A_80 = arith.constant 0 : i32
        %parallel_loop3A_81 = arith.constant 1000 : i32
        %parallel_loop3A_82 = arith.constant 1 : i32
        scf.for %parallel_loop3A_83 = %parallel_loop3A_80 to %parallel_loop3A_81 step %parallel_loop3A_82  : i32 {
          %parallel_loop3A_84 = arith.constant 16 : i32
          %parallel_loop3A_85 = arith.muli %parallel_loop3A_83, %parallel_loop3A_84 : i32
          %parallel_loop3A_86 = arith.index_cast %parallel_loop3A_85 : i32 to index
          %parallel_loop3A_87 = tpu.vector_load %arg8[%parallel_loop3A_86] {strides = array<i32>} : memref<16000xi32, #tpu.memory_space<vmem>>, vector<16xi32>,
          %parallel_loop3A_88 = arith.constant 65535 : i32
          %parallel_loop3A_89 = vector.broadcast %parallel_loop3A_88 : i32 to vector<16xi32>
          %parallel_loop3A_90 = arith.andi %parallel_loop3A_87, %parallel_loop3A_89 : vector<16xi32>
          %parallel_loop3A_91 = arith.constant 16 : i32
          %parallel_loop3A_92 = vector.broadcast %parallel_loop3A_91 : i32 to vector<16xi32>
          %parallel_loop3A_93 = arith.shrui %parallel_loop3A_87, %parallel_loop3A_92 : vector<16xi32>
          %parallel_loop3A_94 = arith.constant 0 : i32
          %parallel_loop3A_95 = vector.broadcast %parallel_loop3A_94 : i32 to vector<16xi32>
          %parallel_loop3A_96 = tpu.vector_load_idx %arg5[%parallel_loop3A_95, %parallel_loop3A_90] : memref<4x10000xf32, #tpu.memory_space<vmem>>[vector<16xi32>, vector<16xi32>], vector<16xf32>,
          tpu.vector_store_idx %arg6[%parallel_loop3A_95, %parallel_loop3A_93], %parallel_loop3A_96 {add = true} : memref<4x10000xf32, #tpu.memory_space<vmem>>[vector<16xi32>, vector<16xi32>], vector<16xf32>,
          %parallel_loop3A_97 = arith.constant 1 : i32
          %parallel_loop3A_98 = vector.broadcast %parallel_loop3A_97 : i32 to vector<16xi32>
          %parallel_loop3A_99 = tpu.vector_load_idx %arg5[%parallel_loop3A_98, %parallel_loop3A_90] : memref<4x10000xf32, #tpu.memory_space<vmem>>[vector<16xi32>, vector<16xi32>], vector<16xf32>,
          tpu.vector_store_idx %arg6[%parallel_loop3A_98, %parallel_loop3A_93], %parallel_loop3A_99 {add = true} : memref<4x10000xf32, #tpu.memory_space<vmem>>[vector<16xi32>, vector<16xi32>], vector<16xf32>,
          %parallel_loop3A_100 = arith.constant 2 : i32
          %parallel_loop3A_101 = vector.broadcast %parallel_loop3A_100 : i32 to vector<16xi32>
          %parallel_loop3A_102 = tpu.vector_load_idx %arg5[%parallel_loop3A_101, %parallel_loop3A_90] : memref<4x10000xf32, #tpu.memory_space<vmem>>[vector<16xi32>, vector<16xi32>], vector<16xf32>,
          tpu.vector_store_idx %arg6[%parallel_loop3A_101, %parallel_loop3A_93], %parallel_loop3A_102 {add = true} : memref<4x10000xf32, #tpu.memory_space<vmem>>[vector<16xi32>, vector<16xi32>], vector<16xf32>,
          %parallel_loop3A_103 = arith.constant 3 : i32
          %parallel_loop3A_104 = vector.broadcast %parallel_loop3A_103 : i32 to vector<16xi32>
          %parallel_loop3A_105 = tpu.vector_load_idx %arg5[%parallel_loop3A_104, %parallel_loop3A_90] : memref<4x10000xf32, #tpu.memory_space<vmem>>[vector<16xi32>, vector<16xi32>], vector<16xf32>,
          tpu.vector_store_idx %arg6[%parallel_loop3A_104, %parallel_loop3A_93], %parallel_loop3A_105 {add = true} : memref<4x10000xf32, #tpu.memory_space<vmem>>[vector<16xi32>, vector<16xi32>], vector<16xf32>,
        } {sc.loop_unroll_factor = 8 : i64, sc.parallel_access}
      }
      %scan3A_51 = arith.constant 20 : i32
      "tpu.region"() ({
        %run_scoped3A = tpu.sem_alloc : memref<!tpu.dma_semaphore, #tpu.memory_space<semaphore_mem>>
        %dma_start3A_52 = arith.constant 0 : i32
        %dma_start3A_53 = arith.constant 0 : i32
        %dma_start3A_54 = tpu.memref_slice %arg4[%select_n3A_30, %select_n3A_9, %dma_start3A_52, %dma_start3A_53] : memref<1x28x4x10000xf32, #tpu.memory_space<hbm>> -> memref<1x1x4x10000xf32, #tpu.memory_space<hbm>>
        %dma_start3A_55 = tpu.memref_squeeze %dma_start3A_54 : memref<1x1x4x10000xf32, #tpu.memory_space<hbm>> -> memref<4x10000xf32, #tpu.memory_space<hbm>>
        %dma_start3A_56 = arith.constant 0 : i32
        %dma_start3A_57 = arith.constant 0 : i32
        %dma_start3A_58 = tpu.memref_slice %arg4[%select_n3A_30, %select_n3A_9, %dma_start3A_56, %dma_start3A_57] : memref<1x28x4x10000xf32, #tpu.memory_space<hbm>> -> memref<1x1x4x10000xf32, #tpu.memory_space<hbm>>
        %dma_start3A_59 = tpu.memref_squeeze %dma_start3A_58 : memref<1x1x4x10000xf32, #tpu.memory_space<hbm>> -> memref<4x10000xf32, #tpu.memory_space<hbm>>
        tpu.enqueue_dma source(%arg6 : memref<4x10000xf32, #tpu.memory_space<vmem>>) target(%dma_start3A_59 : memref<4x10000xf32, #tpu.memory_space<hbm>>) target_semaphore(%run_scoped3A : memref<!tpu.dma_semaphore, #tpu.memory_space<semaphore_mem>>)
        %dma_wait3A = arith.constant 0 : i32
        %dma_wait3A_60 = arith.constant 0 : i32
        %dma_wait3A_61 = tpu.memref_slice %arg4[%select_n3A_30, %select_n3A_9, %dma_wait3A, %dma_wait3A_60] : memref<1x28x4x10000xf32, #tpu.memory_space<hbm>> -> memref<1x1x4x10000xf32, #tpu.memory_space<hbm>>
        %dma_wait3A_62 = tpu.memref_squeeze %dma_wait3A_61 : memref<1x1x4x10000xf32, #tpu.memory_space<hbm>> -> memref<4x10000xf32, #tpu.memory_space<hbm>>
        %dma_wait3A_63 = arith.constant 0 : i32
        %dma_wait3A_64 = arith.constant 0 : i32
        %dma_wait3A_65 = tpu.memref_slice %arg4[%select_n3A_30, %select_n3A_9, %dma_wait3A_63, %dma_wait3A_64] : memref<1x28x4x10000xf32, #tpu.memory_space<hbm>> -> memref<1x1x4x10000xf32, #tpu.memory_space<hbm>>
        %dma_wait3A_66 = tpu.memref_squeeze %dma_wait3A_65 : memref<1x1x4x10000xf32, #tpu.memory_space<hbm>> -> memref<4x10000xf32, #tpu.memory_space<hbm>>
        tpu.wait_dma2 semaphore(%run_scoped3A : memref<!tpu.dma_semaphore, #tpu.memory_space<semaphore_mem>>) src(%arg6 : memref<4x10000xf32, #tpu.memory_space<vmem>>) dst(%dma_wait3A_66 : memref<4x10000xf32, #tpu.memory_space<hbm>>)
        tpu.yield
      }) : () -> ()
    } else {
    }
    return
  }
}

#map = affine_map<(d0, d1) -> (0, 0)>
#map1 = affine_map<(d0, d1) -> (0)>
#map2 = affine_map<(d0, d1) -> (0, 0, 0, 0)>
module attributes {stable_mosaic.version = 14 : i64} {
  func.func @body(%arg0: i32, %arg1: i32, %arg2: memref<112x10000xf32, #tpu.memory_space<hbm>>, %arg3: memref<640000xi32, #tpu.memory_space<hbm>>, %arg4: memref<1x28x4x10000xf32, #tpu.memory_space<hbm>>, %arg5: memref<4x10000xf32, #tpu.memory_space<vmem>>, %arg6: memref<4x10000xf32, #tpu.memory_space<vmem>>, %arg7: memref<16000xi32, #tpu.memory_space<vmem>>, %arg8: memref<16000xi32, #tpu.memory_space<vmem>>, %arg9: memref<!tpu.dma_semaphore, #tpu.memory_space<semaphore_mem>>, %arg10: memref<!tpu.dma_semaphore, #tpu.memory_space<semaphore_mem>>) attributes {dimension_semantics = [#tpu.dimension_semantics<core_parallel>, #tpu.dimension_semantics<subcore_parallel>], iteration_bounds = array<i64: 2, 16>, scalar_prefetch = 0 : i64, scratch_operands = 6 : i64, tpu.core_type = #tpu.core_type<sc_vector_subcore>, window_params = [{transform_indices = #map}, {transform_indices = #map1}, {transform_indices = #map2}]} {
    %mul3A = arith.constant 2 : i32
    %mul3A_0 = arith.muli %arg1, %mul3A : i32
    %add3A = arith.addi %mul3A_0, %arg0 : i32
    %jit3A = arith.constant 28 : i32
    %eq3A = arith.constant 0 : i32
    %eq3A_1 = arith.cmpi eq, %jit3A, %eq3A : i32
    %jit3A_2 = arith.constant 1 : i32
    %select_n3A = arith.select %eq3A_1, %jit3A_2, %jit3A : i32
    %rem3A = arith.remsi %add3A, %select_n3A : i32
    %ne3A = arith.constant 0 : i32
    %ne3A_3 = arith.cmpi ne, %rem3A, %ne3A : i32
    %lt3A = arith.constant 0 : i32
    %lt3A_4 = arith.cmpi slt, %rem3A, %lt3A : i32
    %lt3A_5 = arith.constant 0 : i32
    %lt3A_6 = arith.cmpi slt, %select_n3A, %lt3A_5 : i32
    %ne3A_7 = arith.xori %lt3A_4, %lt3A_6 : i1
    %and3A = arith.andi %ne3A_7, %ne3A_3 : i1
    %add3A_8 = arith.addi %rem3A, %select_n3A : i32
    %select_n3A_9 = arith.select %and3A, %add3A_8, %rem3A : i32
    %jit3A_10 = arith.constant 28 : i32
    %div3A = arith.divsi %add3A, %jit3A_10 : i32
    %sign3A = arith.constant 0 : i32
    %sign3A_11 = arith.cmpi sgt, %add3A, %sign3A : i32
    %sign3A_12 = arith.extui %sign3A_11 : i1 to i32
    %sign3A_13 = arith.constant 0 : i32
    %sign3A_14 = arith.cmpi slt, %add3A, %sign3A_13 : i32
    %sign3A_15 = arith.extui %sign3A_14 : i1 to i32
    %sign3A_16 = arith.subi %sign3A_12, %sign3A_15 : i32
    %sign3A_17 = arith.constant 0 : i32
    %sign3A_18 = arith.cmpi sgt, %jit3A_10, %sign3A_17 : i32
    %sign3A_19 = arith.extui %sign3A_18 : i1 to i32
    %sign3A_20 = arith.constant 0 : i32
    %sign3A_21 = arith.cmpi slt, %jit3A_10, %sign3A_20 : i32
    %sign3A_22 = arith.extui %sign3A_21 : i1 to i32
    %sign3A_23 = arith.subi %sign3A_19, %sign3A_22 : i32
    %ne3A_24 = arith.cmpi ne, %sign3A_16, %sign3A_23 : i32
    %rem3A_25 = arith.remsi %add3A, %jit3A_10 : i32
    %ne3A_26 = arith.constant 0 : i32
    %ne3A_27 = arith.cmpi ne, %rem3A_25, %ne3A_26 : i32
    %and3A_28 = arith.andi %ne3A_24, %ne3A_27 : i1
    %sub3A = arith.constant 1 : i32
    %sub3A_29 = arith.subi %div3A, %sub3A : i32
    %select_n3A_30 = arith.select %and3A_28, %sub3A_29, %div3A : i32
    %lt3A_31 = arith.constant 28 : i32
    %lt3A_32 = arith.cmpi slt, %add3A, %lt3A_31 : i32
    %convert_element_type3A = arith.extui %lt3A_32 : i1 to i32
    %cond3A = arith.constant 0 : i32
    %cond3A_33 = arith.cmpi ne, %convert_element_type3A, %cond3A : i32
    scf.if %cond3A_33 {
      %mul3A_34 = arith.constant 4 : i32
      %mul3A_35 = arith.muli %select_n3A_9, %mul3A_34 : i32
      "tpu.region"() ({
        %run_scoped3A = tpu.sem_alloc : memref<!tpu.dma_semaphore, #tpu.memory_space<semaphore_mem>>
        %dma_start3A_52 = arith.constant 0 : i32
        %dma_start3A_53 = tpu.memref_slice %arg2[%mul3A_35, %dma_start3A_52] : memref<112x10000xf32, #tpu.memory_space<hbm>> -> memref<4x10000xf32, #tpu.memory_space<hbm>>
        %dma_start3A_54 = arith.constant 0 : i32
        %dma_start3A_55 = tpu.memref_slice %arg2[%mul3A_35, %dma_start3A_54] : memref<112x10000xf32, #tpu.memory_space<hbm>> -> memref<4x10000xf32, #tpu.memory_space<hbm>>
        tpu.enqueue_dma source(%dma_start3A_55 : memref<4x10000xf32, #tpu.memory_space<hbm>>) target(%arg5 : memref<4x10000xf32, #tpu.memory_space<vmem>>) target_semaphore(%run_scoped3A : memref<!tpu.dma_semaphore, #tpu.memory_space<semaphore_mem>>)
        %dma_wait3A = arith.constant 0 : i32
        %dma_wait3A_56 = tpu.memref_slice %arg2[%mul3A_35, %dma_wait3A] : memref<112x10000xf32, #tpu.memory_space<hbm>> -> memref<4x10000xf32, #tpu.memory_space<hbm>>
        %dma_wait3A_57 = arith.constant 0 : i32
        %dma_wait3A_58 = tpu.memref_slice %arg2[%mul3A_35, %dma_wait3A_57] : memref<112x10000xf32, #tpu.memory_space<hbm>> -> memref<4x10000xf32, #tpu.memory_space<hbm>>
        tpu.wait_dma2 semaphore(%run_scoped3A : memref<!tpu.dma_semaphore, #tpu.memory_space<semaphore_mem>>) src(%dma_wait3A_58 : memref<4x10000xf32, #tpu.memory_space<hbm>>) dst(%arg5 : memref<4x10000xf32, #tpu.memory_space<vmem>>)
        tpu.yield
      }) : () -> ()
      %scan3A = arith.constant 0 : i32
      %scan3A_36 = arith.constant 0 : i32
      %scan3A_37 = arith.constant 625 : i32
      %scan3A_38 = arith.addi %scan3A_36, %scan3A_37 : i32
      %scan3A_39 = arith.constant 1 : i32
      scf.for %scan3A_52 = %scan3A_36 to %scan3A_38 step %scan3A_39  : i32 {
        %broadcast_in_dim3A = arith.constant 0.000000e+00 : f32
        %broadcast_in_dim3A_53 = vector.broadcast %broadcast_in_dim3A : f32 to vector<16xf32>
        %mul3A_54 = arith.constant 16 : i32
        %mul3A_55 = arith.muli %scan3A_52, %mul3A_54 : i32
        %swap3A = arith.constant 0 : i32
        %swap3A_56 = arith.index_cast %swap3A : i32 to index
        %swap3A_57 = arith.index_cast %mul3A_55 : i32 to index
        %swap3A_58 = tpu.vector_load %arg6[%swap3A_56, %swap3A_57] {strides = array<i32>} : memref<4x10000xf32, #tpu.memory_space<vmem>>, vector<16xf32>,
        tpu.vector_store %arg6[%swap3A_56, %swap3A_57], %broadcast_in_dim3A_53 {strides = array<i32>} : memref<4x10000xf32, #tpu.memory_space<vmem>>, vector<16xf32>,
        %broadcast_in_dim3A_59 = arith.constant 0.000000e+00 : f32
        %broadcast_in_dim3A_60 = vector.broadcast %broadcast_in_dim3A_59 : f32 to vector<16xf32>
        %mul3A_61 = arith.constant 16 : i32
        %mul3A_62 = arith.muli %scan3A_52, %mul3A_61 : i32
        %swap3A_63 = arith.constant 1 : i32
        %swap3A_64 = arith.index_cast %swap3A_63 : i32 to index
        %swap3A_65 = arith.index_cast %mul3A_62 : i32 to index
        %swap3A_66 = tpu.vector_load %arg6[%swap3A_64, %swap3A_65] {strides = array<i32>} : memref<4x10000xf32, #tpu.memory_space<vmem>>, vector<16xf32>,
        tpu.vector_store %arg6[%swap3A_64, %swap3A_65], %broadcast_in_dim3A_60 {strides = array<i32>} : memref<4x10000xf32, #tpu.memory_space<vmem>>, vector<16xf32>,
        %broadcast_in_dim3A_67 = arith.constant 0.000000e+00 : f32
        %broadcast_in_dim3A_68 = vector.broadcast %broadcast_in_dim3A_67 : f32 to vector<16xf32>
        %mul3A_69 = arith.constant 16 : i32
        %mul3A_70 = arith.muli %scan3A_52, %mul3A_69 : i32
        %swap3A_71 = arith.constant 2 : i32
        %swap3A_72 = arith.index_cast %swap3A_71 : i32 to index
        %swap3A_73 = arith.index_cast %mul3A_70 : i32 to index
        %swap3A_74 = tpu.vector_load %arg6[%swap3A_72, %swap3A_73] {strides = array<i32>} : memref<4x10000xf32, #tpu.memory_space<vmem>>, vector<16xf32>,
        tpu.vector_store %arg6[%swap3A_72, %swap3A_73], %broadcast_in_dim3A_68 {strides = array<i32>} : memref<4x10000xf32, #tpu.memory_space<vmem>>, vector<16xf32>,
        %broadcast_in_dim3A_75 = arith.constant 0.000000e+00 : f32
        %broadcast_in_dim3A_76 = vector.broadcast %broadcast_in_dim3A_75 : f32 to vector<16xf32>
        %mul3A_77 = arith.constant 16 : i32
        %mul3A_78 = arith.muli %scan3A_52, %mul3A_77 : i32
        %swap3A_79 = arith.constant 3 : i32
        %swap3A_80 = arith.index_cast %swap3A_79 : i32 to index
        %swap3A_81 = arith.index_cast %mul3A_78 : i32 to index
        %swap3A_82 = tpu.vector_load %arg6[%swap3A_80, %swap3A_81] {strides = array<i32>} : memref<4x10000xf32, #tpu.memory_space<vmem>>, vector<16xf32>,
        tpu.vector_store %arg6[%swap3A_80, %swap3A_81], %broadcast_in_dim3A_76 {strides = array<i32>} : memref<4x10000xf32, #tpu.memory_space<vmem>>, vector<16xf32>,
      }
      %scan3A_40 = arith.constant 625 : i32
      %mul3A_41 = arith.constant 640000 : i32
      %mul3A_42 = arith.muli %select_n3A_30, %mul3A_41 : i32
      %add3A_43 = arith.constant 0 : i32
      %add3A_44 = arith.addi %mul3A_42, %add3A_43 : i32
      %dma_start3A = tpu.memref_slice %arg3[%add3A_44] : memref<640000xi32, #tpu.memory_space<hbm>> -> memref<16000xi32, #tpu.memory_space<hbm>>
      %dma_start3A_45 = tpu.memref_slice %arg3[%add3A_44] : memref<640000xi32, #tpu.memory_space<hbm>> -> memref<16000xi32, #tpu.memory_space<hbm>>
      tpu.enqueue_dma source(%dma_start3A_45 : memref<16000xi32, #tpu.memory_space<hbm>>) target(%arg7 : memref<16000xi32, #tpu.memory_space<vmem>>) target_semaphore(%arg9 : memref<!tpu.dma_semaphore, #tpu.memory_space<semaphore_mem>>)
      %scan3A_46 = arith.constant 0 : i32
      %scan3A_47 = arith.constant 0 : i32
      %scan3A_48 = arith.constant 20 : i32
      %scan3A_49 = arith.addi %scan3A_47, %scan3A_48 : i32
      %scan3A_50 = arith.constant 1 : i32
      scf.for %scan3A_52 = %scan3A_47 to %scan3A_49 step %scan3A_50  : i32 {
        %mul3A_53 = arith.constant 2 : i32
        %mul3A_54 = arith.muli %scan3A_52, %mul3A_53 : i32
        %add3A_55 = arith.constant 1 : i32
        %add3A_56 = arith.addi %mul3A_54, %add3A_55 : i32
        %mul3A_57 = arith.constant 16000 : i32
        %mul3A_58 = arith.muli %add3A_56, %mul3A_57 : i32
        %add3A_59 = arith.addi %mul3A_42, %mul3A_58 : i32
        %dma_start3A_60 = tpu.memref_slice %arg3[%add3A_59] : memref<640000xi32, #tpu.memory_space<hbm>> -> memref<16000xi32, #tpu.memory_space<hbm>>
        %dma_start3A_61 = tpu.memref_slice %arg3[%add3A_59] : memref<640000xi32, #tpu.memory_space<hbm>> -> memref<16000xi32, #tpu.memory_space<hbm>>
        tpu.enqueue_dma source(%dma_start3A_61 : memref<16000xi32, #tpu.memory_space<hbm>>) target(%arg8 : memref<16000xi32, #tpu.memory_space<vmem>>) target_semaphore(%arg10 : memref<!tpu.dma_semaphore, #tpu.memory_space<semaphore_mem>>)
        %mul3A_62 = arith.constant 16000 : i32
        %mul3A_63 = arith.muli %mul3A_54, %mul3A_62 : i32
        %add3A_64 = arith.addi %mul3A_42, %mul3A_63 : i32
        %dma_wait3A = tpu.memref_slice %arg3[%add3A_64] : memref<640000xi32, #tpu.memory_space<hbm>> -> memref<16000xi32, #tpu.memory_space<hbm>>
        %dma_wait3A_65 = tpu.memref_slice %arg3[%add3A_64] : memref<640000xi32, #tpu.memory_space<hbm>> -> memref<16000xi32, #tpu.memory_space<hbm>>
        tpu.wait_dma2 semaphore(%arg9 : memref<!tpu.dma_semaphore, #tpu.memory_space<semaphore_mem>>) src(%dma_wait3A_65 : memref<16000xi32, #tpu.memory_space<hbm>>) dst(%arg7 : memref<16000xi32, #tpu.memory_space<vmem>>)
        %parallel_loop3A = arith.constant 0 : i32
        %parallel_loop3A_66 = arith.constant 1000 : i32
        %parallel_loop3A_67 = arith.constant 1 : i32
        scf.for %parallel_loop3A_83 = %parallel_loop3A to %parallel_loop3A_66 step %parallel_loop3A_67  : i32 {
          %parallel_loop3A_84 = arith.constant 16 : i32
          %parallel_loop3A_85 = arith.muli %parallel_loop3A_83, %parallel_loop3A_84 : i32
          %parallel_loop3A_86 = arith.index_cast %parallel_loop3A_85 : i32 to index
          %parallel_loop3A_87 = tpu.vector_load %arg7[%parallel_loop3A_86] {strides = array<i32>} : memref<16000xi32, #tpu.memory_space<vmem>>, vector<16xi32>,
          %parallel_loop3A_88 = arith.constant 65535 : i32
          %parallel_loop3A_89 = vector.broadcast %parallel_loop3A_88 : i32 to vector<16xi32>
          %parallel_loop3A_90 = arith.andi %parallel_loop3A_87, %parallel_loop3A_89 : vector<16xi32>
          %parallel_loop3A_91 = arith.constant 16 : i32
          %parallel_loop3A_92 = vector.broadcast %parallel_loop3A_91 : i32 to vector<16xi32>
          %parallel_loop3A_93 = arith.shrui %parallel_loop3A_87, %parallel_loop3A_92 : vector<16xi32>
          %parallel_loop3A_94 = arith.constant 0 : i32
          %parallel_loop3A_95 = vector.broadcast %parallel_loop3A_94 : i32 to vector<16xi32>
          %parallel_loop3A_96 = tpu.vector_load_idx %arg5[%parallel_loop3A_95, %parallel_loop3A_90] : memref<4x10000xf32, #tpu.memory_space<vmem>>[vector<16xi32>, vector<16xi32>], vector<16xf32>,
          tpu.vector_store_idx %arg6[%parallel_loop3A_95, %parallel_loop3A_93], %parallel_loop3A_96 {add = true} : memref<4x10000xf32, #tpu.memory_space<vmem>>[vector<16xi32>, vector<16xi32>], vector<16xf32>,
          %parallel_loop3A_97 = arith.constant 1 : i32
          %parallel_loop3A_98 = vector.broadcast %parallel_loop3A_97 : i32 to vector<16xi32>
          %parallel_loop3A_99 = tpu.vector_load_idx %arg5[%parallel_loop3A_98, %parallel_loop3A_90] : memref<4x10000xf32, #tpu.memory_space<vmem>>[vector<16xi32>, vector<16xi32>], vector<16xf32>,
          tpu.vector_store_idx %arg6[%parallel_loop3A_98, %parallel_loop3A_93], %parallel_loop3A_99 {add = true} : memref<4x10000xf32, #tpu.memory_space<vmem>>[vector<16xi32>, vector<16xi32>], vector<16xf32>,
          %parallel_loop3A_100 = arith.constant 2 : i32
          %parallel_loop3A_101 = vector.broadcast %parallel_loop3A_100 : i32 to vector<16xi32>
          %parallel_loop3A_102 = tpu.vector_load_idx %arg5[%parallel_loop3A_101, %parallel_loop3A_90] : memref<4x10000xf32, #tpu.memory_space<vmem>>[vector<16xi32>, vector<16xi32>], vector<16xf32>,
          tpu.vector_store_idx %arg6[%parallel_loop3A_101, %parallel_loop3A_93], %parallel_loop3A_102 {add = true} : memref<4x10000xf32, #tpu.memory_space<vmem>>[vector<16xi32>, vector<16xi32>], vector<16xf32>,
          %parallel_loop3A_103 = arith.constant 3 : i32
          %parallel_loop3A_104 = vector.broadcast %parallel_loop3A_103 : i32 to vector<16xi32>
          %parallel_loop3A_105 = tpu.vector_load_idx %arg5[%parallel_loop3A_104, %parallel_loop3A_90] : memref<4x10000xf32, #tpu.memory_space<vmem>>[vector<16xi32>, vector<16xi32>], vector<16xf32>,
          tpu.vector_store_idx %arg6[%parallel_loop3A_104, %parallel_loop3A_93], %parallel_loop3A_105 {add = true} : memref<4x10000xf32, #tpu.memory_space<vmem>>[vector<16xi32>, vector<16xi32>], vector<16xf32>,
        } {sc.loop_unroll_factor = 8 : i64, sc.parallel_access}
        %lt3A_68 = arith.constant 19 : i32
        %lt3A_69 = arith.cmpi slt, %scan3A_52, %lt3A_68 : i32
        %convert_element_type3A_70 = arith.extui %lt3A_69 : i1 to i32
        %cond3A_71 = arith.constant 0 : i32
        %cond3A_72 = arith.cmpi ne, %convert_element_type3A_70, %cond3A_71 : i32
        scf.if %cond3A_72 {
          %add3A_83 = arith.constant 2 : i32
          %add3A_84 = arith.addi %mul3A_54, %add3A_83 : i32
          %mul3A_85 = arith.constant 16000 : i32
          %mul3A_86 = arith.muli %add3A_84, %mul3A_85 : i32
          %add3A_87 = arith.addi %mul3A_42, %mul3A_86 : i32
          %dma_start3A_88 = tpu.memref_slice %arg3[%add3A_87] : memref<640000xi32, #tpu.memory_space<hbm>> -> memref<16000xi32, #tpu.memory_space<hbm>>
          %dma_start3A_89 = tpu.memref_slice %arg3[%add3A_87] : memref<640000xi32, #tpu.memory_space<hbm>> -> memref<16000xi32, #tpu.memory_space<hbm>>
          tpu.enqueue_dma source(%dma_start3A_89 : memref<16000xi32, #tpu.memory_space<hbm>>) target(%arg7 : memref<16000xi32, #tpu.memory_space<vmem>>) target_semaphore(%arg9 : memref<!tpu.dma_semaphore, #tpu.memory_space<semaphore_mem>>)
        } else {
        }
        %add3A_73 = arith.constant 1 : i32
        %add3A_74 = arith.addi %mul3A_54, %add3A_73 : i32
        %mul3A_75 = arith.constant 16000 : i32
        %mul3A_76 = arith.muli %add3A_74, %mul3A_75 : i32
        %add3A_77 = arith.addi %mul3A_42, %mul3A_76 : i32
        %dma_wait3A_78 = tpu.memref_slice %arg3[%add3A_77] : memref<640000xi32, #tpu.memory_space<hbm>> -> memref<16000xi32, #tpu.memory_space<hbm>>
        %dma_wait3A_79 = tpu.memref_slice %arg3[%add3A_77] : memref<640000xi32, #tpu.memory_space<hbm>> -> memref<16000xi32, #tpu.memory_space<hbm>>
        tpu.wait_dma2 semaphore(%arg10 : memref<!tpu.dma_semaphore, #tpu.memory_space<semaphore_mem>>) src(%dma_wait3A_79 : memref<16000xi32, #tpu.memory_space<hbm>>) dst(%arg8 : memref<16000xi32, #tpu.memory_space<vmem>>)
        %parallel_loop3A_80 = arith.constant 0 : i32
        %parallel_loop3A_81 = arith.constant 1000 : i32
        %parallel_loop3A_82 = arith.constant 1 : i32
        scf.for %parallel_loop3A_83 = %parallel_loop3A_80 to %parallel_loop3A_81 step %parallel_loop3A_82  : i32 {
          %parallel_loop3A_84 = arith.constant 16 : i32
          %parallel_loop3A_85 = arith.muli %parallel_loop3A_83, %parallel_loop3A_84 : i32
          %parallel_loop3A_86 = arith.index_cast %parallel_loop3A_85 : i32 to index
          %parallel_loop3A_87 = tpu.vector_load %arg8[%parallel_loop3A_86] {strides = array<i32>} : memref<16000xi32, #tpu.memory_space<vmem>>, vector<16xi32>,
          %parallel_loop3A_88 = arith.constant 65535 : i32
          %parallel_loop3A_89 = vector.broadcast %parallel_loop3A_88 : i32 to vector<16xi32>
          %parallel_loop3A_90 = arith.andi %parallel_loop3A_87, %parallel_loop3A_89 : vector<16xi32>
          %parallel_loop3A_91 = arith.constant 16 : i32
          %parallel_loop3A_92 = vector.broadcast %parallel_loop3A_91 : i32 to vector<16xi32>
          %parallel_loop3A_93 = arith.shrui %parallel_loop3A_87, %parallel_loop3A_92 : vector<16xi32>
          %parallel_loop3A_94 = arith.constant 0 : i32
          %parallel_loop3A_95 = vector.broadcast %parallel_loop3A_94 : i32 to vector<16xi32>
          %parallel_loop3A_96 = tpu.vector_load_idx %arg5[%parallel_loop3A_95, %parallel_loop3A_90] : memref<4x10000xf32, #tpu.memory_space<vmem>>[vector<16xi32>, vector<16xi32>], vector<16xf32>,
          tpu.vector_store_idx %arg6[%parallel_loop3A_95, %parallel_loop3A_93], %parallel_loop3A_96 {add = true} : memref<4x10000xf32, #tpu.memory_space<vmem>>[vector<16xi32>, vector<16xi32>], vector<16xf32>,
          %parallel_loop3A_97 = arith.constant 1 : i32
          %parallel_loop3A_98 = vector.broadcast %parallel_loop3A_97 : i32 to vector<16xi32>
          %parallel_loop3A_99 = tpu.vector_load_idx %arg5[%parallel_loop3A_98, %parallel_loop3A_90] : memref<4x10000xf32, #tpu.memory_space<vmem>>[vector<16xi32>, vector<16xi32>], vector<16xf32>,
          tpu.vector_store_idx %arg6[%parallel_loop3A_98, %parallel_loop3A_93], %parallel_loop3A_99 {add = true} : memref<4x10000xf32, #tpu.memory_space<vmem>>[vector<16xi32>, vector<16xi32>], vector<16xf32>,
          %parallel_loop3A_100 = arith.constant 2 : i32
          %parallel_loop3A_101 = vector.broadcast %parallel_loop3A_100 : i32 to vector<16xi32>
          %parallel_loop3A_102 = tpu.vector_load_idx %arg5[%parallel_loop3A_101, %parallel_loop3A_90] : memref<4x10000xf32, #tpu.memory_space<vmem>>[vector<16xi32>, vector<16xi32>], vector<16xf32>,
          tpu.vector_store_idx %arg6[%parallel_loop3A_101, %parallel_loop3A_93], %parallel_loop3A_102 {add = true} : memref<4x10000xf32, #tpu.memory_space<vmem>>[vector<16xi32>, vector<16xi32>], vector<16xf32>,
          %parallel_loop3A_103 = arith.constant 3 : i32
          %parallel_loop3A_104 = vector.broadcast %parallel_loop3A_103 : i32 to vector<16xi32>
          %parallel_loop3A_105 = tpu.vector_load_idx %arg5[%parallel_loop3A_104, %parallel_loop3A_90] : memref<4x10000xf32, #tpu.memory_space<vmem>>[vector<16xi32>, vector<16xi32>], vector<16xf32>,
          tpu.vector_store_idx %arg6[%parallel_loop3A_104, %parallel_loop3A_93], %parallel_loop3A_105 {add = true} : memref<4x10000xf32, #tpu.memory_space<vmem>>[vector<16xi32>, vector<16xi32>], vector<16xf32>,
        } {sc.loop_unroll_factor = 8 : i64, sc.parallel_access}
      }
      %scan3A_51 = arith.constant 20 : i32
      "tpu.region"() ({
        %run_scoped3A = tpu.sem_alloc : memref<!tpu.dma_semaphore, #tpu.memory_space<semaphore_mem>>
        %dma_start3A_52 = arith.constant 0 : i32
        %dma_start3A_53 = arith.constant 0 : i32
        %dma_start3A_54 = tpu.memref_slice %arg4[%select_n3A_30, %select_n3A_9, %dma_start3A_52, %dma_start3A_53] : memref<1x28x4x10000xf32, #tpu.memory_space<hbm>> -> memref<1x1x4x10000xf32, #tpu.memory_space<hbm>>
        %dma_start3A_55 = tpu.memref_squeeze %dma_start3A_54 : memref<1x1x4x10000xf32, #tpu.memory_space<hbm>> -> memref<4x10000xf32, #tpu.memory_space<hbm>>
        %dma_start3A_56 = arith.constant 0 : i32
        %dma_start3A_57 = arith.constant 0 : i32
        %dma_start3A_58 = tpu.memref_slice %arg4[%select_n3A_30, %select_n3A_9, %dma_start3A_56, %dma_start3A_57] : memref<1x28x4x10000xf32, #tpu.memory_space<hbm>> -> memref<1x1x4x10000xf32, #tpu.memory_space<hbm>>
        %dma_start3A_59 = tpu.memref_squeeze %dma_start3A_58 : memref<1x1x4x10000xf32, #tpu.memory_space<hbm>> -> memref<4x10000xf32, #tpu.memory_space<hbm>>
        tpu.enqueue_dma source(%arg6 : memref<4x10000xf32, #tpu.memory_space<vmem>>) target(%dma_start3A_59 : memref<4x10000xf32, #tpu.memory_space<hbm>>) target_semaphore(%run_scoped3A : memref<!tpu.dma_semaphore, #tpu.memory_space<semaphore_mem>>)
        %dma_wait3A = arith.constant 0 : i32
        %dma_wait3A_60 = arith.constant 0 : i32
        %dma_wait3A_61 = tpu.memref_slice %arg4[%select_n3A_30, %select_n3A_9, %dma_wait3A, %dma_wait3A_60] : memref<1x28x4x10000xf32, #tpu.memory_space<hbm>> -> memref<1x1x4x10000xf32, #tpu.memory_space<hbm>>
        %dma_wait3A_62 = tpu.memref_squeeze %dma_wait3A_61 : memref<1x1x4x10000xf32, #tpu.memory_space<hbm>> -> memref<4x10000xf32, #tpu.memory_space<hbm>>
        %dma_wait3A_63 = arith.constant 0 : i32
        %dma_wait3A_64 = arith.constant 0 : i32
        %dma_wait3A_65 = tpu.memref_slice %arg4[%select_n3A_30, %select_n3A_9, %dma_wait3A_63, %dma_wait3A_64] : memref<1x28x4x10000xf32, #tpu.memory_space<hbm>> -> memref<1x1x4x10000xf32, #tpu.memory_space<hbm>>
        %dma_wait3A_66 = tpu.memref_squeeze %dma_wait3A_65 : memref<1x1x4x10000xf32, #tpu.memory_space<hbm>> -> memref<4x10000xf32, #tpu.memory_space<hbm>>
        tpu.wait_dma2 semaphore(%run_scoped3A : memref<!tpu.dma_semaphore, #tpu.memory_space<semaphore_mem>>) src(%arg6 : memref<4x10000xf32, #tpu.memory_space<vmem>>) dst(%dma_wait3A_66 : memref<4x10000xf32, #tpu.memory_space<hbm>>)
        tpu.yield
      }) : () -> ()
    } else {
    }
    return
  }
}

module attributes {stable_mosaic.version = 14 : i64} {
  func.func @_prep_body(%arg0: memref<10000x112xf32, #tpu.memory_space<vmem>>, %arg1: memref<2x640000xi32, #tpu.memory_space<vmem>>, %arg2: memref<112x10000xf32, #tpu.memory_space<vmem>>, %arg3: memref<640000xi32, #tpu.memory_space<vmem>>) attributes {dimension_semantics = [], scalar_prefetch = 0 : i64, scratch_operands = 0 : i64, tpu.core_type = #tpu.core_type<tc>} {
    %get3A = arith.constant 0 : index
    %get3A_0 = arith.constant 0 : index
    %get3A_1 = vector.load %arg0[%get3A, %get3A_0] : memref<10000x112xf32, #tpu.memory_space<vmem>>, vector<10000x112xf32>
    %transpose3A = tpu.transpose %get3A_1, [1, 0] : vector<10000x112xf32> -> vector<112x10000xf32>
    %swap3A = arith.constant 0 : index
    %swap3A_2 = arith.constant 0 : index
    %swap3A_3 = vector.load %arg2[%swap3A, %swap3A_2] : memref<112x10000xf32, #tpu.memory_space<vmem>>, vector<112x10000xf32>
    tpu.vector_store %arg2[%swap3A, %swap3A_2], %transpose3A {strides = array<i32>} : memref<112x10000xf32, #tpu.memory_space<vmem>>, vector<112x10000xf32>,
    %get3A_4 = arith.constant 0 : index
    %get3A_5 = arith.constant 0 : index
    %get3A_6 = vector.load %arg1[%get3A_4, %get3A_5] : memref<2x640000xi32, #tpu.memory_space<vmem>>, vector<1x640000xi32>
    %get3A_7 = vector.shape_cast %get3A_6 : vector<1x640000xi32> to vector<640000xi32>
    %get3A_8 = arith.constant 1 : index
    %get3A_9 = arith.constant 0 : index
    %get3A_10 = vector.load %arg1[%get3A_8, %get3A_9] : memref<2x640000xi32, #tpu.memory_space<vmem>>, vector<1x640000xi32>
    %get3A_11 = vector.shape_cast %get3A_10 : vector<1x640000xi32> to vector<640000xi32>
    %shift_left3A = arith.constant 16 : i32
    %shift_left3A_12 = vector.broadcast %shift_left3A : i32 to vector<640000xi32>
    %shift_left3A_13 = arith.shli %get3A_11, %shift_left3A_12 : vector<640000xi32>
    %or3A = arith.ori %get3A_7, %shift_left3A_13 : vector<640000xi32>
    %swap3A_14 = arith.constant 0 : index
    %swap3A_15 = vector.load %arg3[%swap3A_14] : memref<640000xi32, #tpu.memory_space<vmem>>, vector<640000xi32>
    tpu.vector_store %arg3[%swap3A_14], %or3A {strides = array<i32>} : memref<640000xi32, #tpu.memory_space<vmem>>, vector<640000xi32>,
    return
  }
}

module attributes {stable_mosaic.version = 14 : i64} {
  func.func @_mlp1_body(%arg0: memref<112x10000xf32, #tpu.memory_space<vmem>>, %arg1: memref<112x10000xf32, #tpu.memory_space<vmem>>, %arg2: memref<112x112xf32, #tpu.memory_space<vmem>>, %arg3: memref<112x1xf32, #tpu.memory_space<vmem>>, %arg4: memref<112x112xf32, #tpu.memory_space<vmem>>, %arg5: memref<112x1xf32, #tpu.memory_space<vmem>>, %arg6: memref<112x1xf32, #tpu.memory_space<vmem>>, %arg7: memref<112x1xf32, #tpu.memory_space<vmem>>, %arg8: memref<112x10000xf32, #tpu.memory_space<vmem>>) attributes {dimension_semantics = [], scalar_prefetch = 0 : i64, scratch_operands = 0 : i64, tpu.core_type = #tpu.core_type<tc>} {
    %get3A = arith.constant 0 : index
    %get3A_0 = arith.constant 0 : index
    %get3A_1 = vector.load %arg0[%get3A, %get3A_0] : memref<112x10000xf32, #tpu.memory_space<vmem>>, vector<112x10000xf32>
    %get3A_2 = arith.constant 0 : index
    %get3A_3 = arith.constant 0 : index
    %get3A_4 = vector.load %arg1[%get3A_2, %get3A_3] : memref<112x10000xf32, #tpu.memory_space<vmem>>, vector<112x10000xf32>
    %add3A = arith.addf %get3A_1, %get3A_4 : vector<112x10000xf32>
    %get3A_5 = arith.constant 0 : index
    %get3A_6 = arith.constant 0 : index
    %get3A_7 = vector.load %arg2[%get3A_5, %get3A_6] : memref<112x112xf32, #tpu.memory_space<vmem>>, vector<112x112xf32>
    %convert_element_type3A = arith.truncf %get3A_7 : vector<112x112xf32> to vector<112x112xbf16>
    %convert_element_type3A_8 = arith.truncf %add3A : vector<112x10000xf32> to vector<112x10000xbf16>
    %dot_general3A = arith.constant dense<0.000000e+00> : vector<112x10000xf32>
    %dot_general3A_9 = tpu.matmul %convert_element_type3A, %convert_element_type3A_8, %dot_general3A {dimension_numbers = #tpu.dot_dimension_numbers<[1], [0], [0], [1], [0, 0, 1, 1], [], []>, transpose_lhs_hint = false} : vector<112x112xbf16>, vector<112x10000xbf16>, vector<112x10000xf32> -> vector<112x10000xf32>
    %get3A_10 = arith.constant 0 : index
    %get3A_11 = arith.constant 0 : index
    %get3A_12 = vector.load %arg3[%get3A_10, %get3A_11] : memref<112x1xf32, #tpu.memory_space<vmem>>, vector<112x1xf32>
    %add3A_13 = vector.broadcast %get3A_12 : vector<112x1xf32> to vector<112x10000xf32>
    %add3A_14 = arith.addf %dot_general3A_9, %add3A_13 : vector<112x10000xf32>
    %max3A = arith.constant 0.000000e+00 : f32
    %max3A_15 = vector.broadcast %max3A : f32 to vector<112x10000xf32>
    %max3A_16 = arith.maximumf %add3A_14, %max3A_15 : vector<112x10000xf32>
    %get3A_17 = arith.constant 0 : index
    %get3A_18 = arith.constant 0 : index
    %get3A_19 = vector.load %arg4[%get3A_17, %get3A_18] : memref<112x112xf32, #tpu.memory_space<vmem>>, vector<112x112xf32>
    %convert_element_type3A_20 = arith.truncf %get3A_19 : vector<112x112xf32> to vector<112x112xbf16>
    %convert_element_type3A_21 = arith.truncf %max3A_16 : vector<112x10000xf32> to vector<112x10000xbf16>
    %dot_general3A_22 = arith.constant dense<0.000000e+00> : vector<112x10000xf32>
    %dot_general3A_23 = tpu.matmul %convert_element_type3A_20, %convert_element_type3A_21, %dot_general3A_22 {dimension_numbers = #tpu.dot_dimension_numbers<[1], [0], [0], [1], [0, 0, 1, 1], [], []>, transpose_lhs_hint = false} : vector<112x112xbf16>, vector<112x10000xbf16>, vector<112x10000xf32> -> vector<112x10000xf32>
    %get3A_24 = arith.constant 0 : index
    %get3A_25 = arith.constant 0 : index
    %get3A_26 = vector.load %arg5[%get3A_24, %get3A_25] : memref<112x1xf32, #tpu.memory_space<vmem>>, vector<112x1xf32>
    %add3A_27 = vector.broadcast %get3A_26 : vector<112x1xf32> to vector<112x10000xf32>
    %add3A_28 = arith.addf %dot_general3A_23, %add3A_27 : vector<112x10000xf32>
    %max3A_29 = arith.constant 0.000000e+00 : f32
    %max3A_30 = vector.broadcast %max3A_29 : f32 to vector<112x10000xf32>
    %max3A_31 = arith.maximumf %add3A_28, %max3A_30 : vector<112x10000xf32>
    %get3A_32 = arith.constant 0 : index
    %get3A_33 = arith.constant 0 : index
    %get3A_34 = vector.load %arg6[%get3A_32, %get3A_33] : memref<112x1xf32, #tpu.memory_space<vmem>>, vector<112x1xf32>
    %get3A_35 = arith.constant 0 : index
    %get3A_36 = arith.constant 0 : index
    %get3A_37 = vector.load %arg7[%get3A_35, %get3A_36] : memref<112x1xf32, #tpu.memory_space<vmem>>, vector<112x1xf32>
    %reduce_sum3A = arith.constant dense<0.000000e+00> : vector<112xf32>
    %reduce_sum3A_38 = vector.multi_reduction <add>, %max3A_31, %reduce_sum3A [1] : vector<112x10000xf32> to vector<112xf32>
    %broadcast_in_dim3A = vector.shape_cast %reduce_sum3A_38 : vector<112xf32> to vector<112x1xf32>
    %div3A = arith.constant 1.000000e+04 : f32
    %div3A_39 = vector.broadcast %div3A : f32 to vector<112x1xf32>
    %div3A_40 = arith.divf %broadcast_in_dim3A, %div3A_39 : vector<112x1xf32>
    %sub3A = vector.broadcast %div3A_40 : vector<112x1xf32> to vector<112x10000xf32>
    %sub3A_41 = arith.subf %max3A_31, %sub3A : vector<112x10000xf32>
    %integer_pow3A = arith.mulf %sub3A_41, %sub3A_41 : vector<112x10000xf32>
    %reduce_sum3A_42 = arith.constant dense<0.000000e+00> : vector<112xf32>
    %reduce_sum3A_43 = vector.multi_reduction <add>, %integer_pow3A, %reduce_sum3A_42 [1] : vector<112x10000xf32> to vector<112xf32>
    %broadcast_in_dim3A_44 = vector.shape_cast %reduce_sum3A_43 : vector<112xf32> to vector<112x1xf32>
    %div3A_45 = arith.constant 1.000000e+04 : f32
    %div3A_46 = vector.broadcast %div3A_45 : f32 to vector<112x1xf32>
    %div3A_47 = arith.divf %broadcast_in_dim3A_44, %div3A_46 : vector<112x1xf32>
    %sub3A_48 = vector.broadcast %div3A_40 : vector<112x1xf32> to vector<112x10000xf32>
    %sub3A_49 = arith.subf %max3A_31, %sub3A_48 : vector<112x10000xf32>
    %add3A_50 = arith.constant 9.99999974E-6 : f32
    %add3A_51 = vector.broadcast %add3A_50 : f32 to vector<112x1xf32>
    %add3A_52 = arith.addf %div3A_47, %add3A_51 : vector<112x1xf32>
    %rsqrt3A = math.rsqrt %add3A_52 : vector<112x1xf32>
    %mul3A = vector.broadcast %rsqrt3A : vector<112x1xf32> to vector<112x10000xf32>
    %mul3A_53 = arith.mulf %sub3A_49, %mul3A : vector<112x10000xf32>
    %mul3A_54 = vector.broadcast %get3A_34 : vector<112x1xf32> to vector<112x10000xf32>
    %mul3A_55 = arith.mulf %mul3A_53, %mul3A_54 : vector<112x10000xf32>
    %add3A_56 = vector.broadcast %get3A_37 : vector<112x1xf32> to vector<112x10000xf32>
    %add3A_57 = arith.addf %mul3A_55, %add3A_56 : vector<112x10000xf32>
    %swap3A = arith.constant 0 : index
    %swap3A_58 = arith.constant 0 : index
    %swap3A_59 = vector.load %arg8[%swap3A, %swap3A_58] : memref<112x10000xf32, #tpu.memory_space<vmem>>, vector<112x10000xf32>
    tpu.vector_store %arg8[%swap3A, %swap3A_58], %add3A_57 {strides = array<i32>} : memref<112x10000xf32, #tpu.memory_space<vmem>>, vector<112x10000xf32>,
    return
  }
}

module attributes {stable_mosaic.version = 14 : i64} {
  func.func @_tail_body(%arg0: memref<112x10000xf32, #tpu.memory_space<vmem>>, %arg1: memref<112x10000xf32, #tpu.memory_space<vmem>>, %arg2: memref<32x112xf32, #tpu.memory_space<vmem>>, %arg3: memref<32x1xf32, #tpu.memory_space<vmem>>, %arg4: memref<32x32xf32, #tpu.memory_space<vmem>>, %arg5: memref<32x1xf32, #tpu.memory_space<vmem>>, %arg6: memref<32x1xf32, #tpu.memory_space<vmem>>, %arg7: memref<32x1xf32, #tpu.memory_space<vmem>>, %arg8: memref<10000x1xi32, #tpu.memory_space<vmem>>, %arg9: memref<64x32xf32, #tpu.memory_space<vmem>>, %arg10: memref<64x1xf32, #tpu.memory_space<vmem>>, %arg11: memref<32x64xf32, #tpu.memory_space<vmem>>, %arg12: memref<32x1xf32, #tpu.memory_space<vmem>>, %arg13: memref<16x32xf32, #tpu.memory_space<vmem>>, %arg14: memref<16x1xf32, #tpu.memory_space<vmem>>, %arg15: memref<8x16xf32, #tpu.memory_space<vmem>>, %arg16: memref<8x1xf32, #tpu.memory_space<vmem>>, %arg17: memref<2x8xf32, #tpu.memory_space<vmem>>, %arg18: memref<2x1xf32, #tpu.memory_space<vmem>>, %arg19: memref<1x2xf32, #tpu.memory_space<vmem>>, %arg20: memref<1x1xf32, #tpu.memory_space<vmem>>, %arg21: memref<1x128xf32, #tpu.memory_space<vmem>>) attributes {dimension_semantics = [], scalar_prefetch = 0 : i64, scratch_operands = 0 : i64, tpu.core_type = #tpu.core_type<tc>} {
    %get3A = arith.constant 0 : index
    %get3A_0 = arith.constant 0 : index
    %get3A_1 = vector.load %arg0[%get3A, %get3A_0] : memref<112x10000xf32, #tpu.memory_space<vmem>>, vector<112x10000xf32>
    %get3A_2 = arith.constant 0 : index
    %get3A_3 = arith.constant 0 : index
    %get3A_4 = vector.load %arg1[%get3A_2, %get3A_3] : memref<112x10000xf32, #tpu.memory_space<vmem>>, vector<112x10000xf32>
    %add3A = arith.addf %get3A_1, %get3A_4 : vector<112x10000xf32>
    %get3A_5 = arith.constant 0 : index
    %get3A_6 = arith.constant 0 : index
    %get3A_7 = vector.load %arg2[%get3A_5, %get3A_6] : memref<32x112xf32, #tpu.memory_space<vmem>>, vector<32x112xf32>
    %convert_element_type3A = arith.truncf %get3A_7 : vector<32x112xf32> to vector<32x112xbf16>
    %convert_element_type3A_8 = arith.truncf %add3A : vector<112x10000xf32> to vector<112x10000xbf16>
    %dot_general3A = arith.constant dense<0.000000e+00> : vector<32x10000xf32>
    %dot_general3A_9 = tpu.matmul %convert_element_type3A, %convert_element_type3A_8, %dot_general3A {dimension_numbers = #tpu.dot_dimension_numbers<[1], [0], [0], [1], [0, 0, 1, 1], [], []>, transpose_lhs_hint = false} : vector<32x112xbf16>, vector<112x10000xbf16>, vector<32x10000xf32> -> vector<32x10000xf32>
    %get3A_10 = arith.constant 0 : index
    %get3A_11 = arith.constant 0 : index
    %get3A_12 = vector.load %arg3[%get3A_10, %get3A_11] : memref<32x1xf32, #tpu.memory_space<vmem>>, vector<32x1xf32>
    %add3A_13 = vector.broadcast %get3A_12 : vector<32x1xf32> to vector<32x10000xf32>
    %add3A_14 = arith.addf %dot_general3A_9, %add3A_13 : vector<32x10000xf32>
    %max3A = arith.constant 0.000000e+00 : f32
    %max3A_15 = vector.broadcast %max3A : f32 to vector<32x10000xf32>
    %max3A_16 = arith.maximumf %add3A_14, %max3A_15 : vector<32x10000xf32>
    %get3A_17 = arith.constant 0 : index
    %get3A_18 = arith.constant 0 : index
    %get3A_19 = vector.load %arg4[%get3A_17, %get3A_18] : memref<32x32xf32, #tpu.memory_space<vmem>>, vector<32x32xf32>
    %convert_element_type3A_20 = arith.truncf %get3A_19 : vector<32x32xf32> to vector<32x32xbf16>
    %convert_element_type3A_21 = arith.truncf %max3A_16 : vector<32x10000xf32> to vector<32x10000xbf16>
    %dot_general3A_22 = arith.constant dense<0.000000e+00> : vector<32x10000xf32>
    %dot_general3A_23 = tpu.matmul %convert_element_type3A_20, %convert_element_type3A_21, %dot_general3A_22 {dimension_numbers = #tpu.dot_dimension_numbers<[1], [0], [0], [1], [0, 0, 1, 1], [], []>, transpose_lhs_hint = false} : vector<32x32xbf16>, vector<32x10000xbf16>, vector<32x10000xf32> -> vector<32x10000xf32>
    %get3A_24 = arith.constant 0 : index
    %get3A_25 = arith.constant 0 : index
    %get3A_26 = vector.load %arg5[%get3A_24, %get3A_25] : memref<32x1xf32, #tpu.memory_space<vmem>>, vector<32x1xf32>
    %add3A_27 = vector.broadcast %get3A_26 : vector<32x1xf32> to vector<32x10000xf32>
    %add3A_28 = arith.addf %dot_general3A_23, %add3A_27 : vector<32x10000xf32>
    %max3A_29 = arith.constant 0.000000e+00 : f32
    %max3A_30 = vector.broadcast %max3A_29 : f32 to vector<32x10000xf32>
    %max3A_31 = arith.maximumf %add3A_28, %max3A_30 : vector<32x10000xf32>
    %get3A_32 = arith.constant 0 : index
    %get3A_33 = arith.constant 0 : index
    %get3A_34 = vector.load %arg6[%get3A_32, %get3A_33] : memref<32x1xf32, #tpu.memory_space<vmem>>, vector<32x1xf32>
    %get3A_35 = arith.constant 0 : index
    %get3A_36 = arith.constant 0 : index
    %get3A_37 = vector.load %arg7[%get3A_35, %get3A_36] : memref<32x1xf32, #tpu.memory_space<vmem>>, vector<32x1xf32>
    %reduce_sum3A = arith.constant dense<0.000000e+00> : vector<32xf32>
    %reduce_sum3A_38 = vector.multi_reduction <add>, %max3A_31, %reduce_sum3A [1] : vector<32x10000xf32> to vector<32xf32>
    %broadcast_in_dim3A = vector.shape_cast %reduce_sum3A_38 : vector<32xf32> to vector<32x1xf32>
    %div3A = arith.constant 1.000000e+04 : f32
    %div3A_39 = vector.broadcast %div3A : f32 to vector<32x1xf32>
    %div3A_40 = arith.divf %broadcast_in_dim3A, %div3A_39 : vector<32x1xf32>
    %sub3A = vector.broadcast %div3A_40 : vector<32x1xf32> to vector<32x10000xf32>
    %sub3A_41 = arith.subf %max3A_31, %sub3A : vector<32x10000xf32>
    %integer_pow3A = arith.mulf %sub3A_41, %sub3A_41 : vector<32x10000xf32>
    %reduce_sum3A_42 = arith.constant dense<0.000000e+00> : vector<32xf32>
    %reduce_sum3A_43 = vector.multi_reduction <add>, %integer_pow3A, %reduce_sum3A_42 [1] : vector<32x10000xf32> to vector<32xf32>
    %broadcast_in_dim3A_44 = vector.shape_cast %reduce_sum3A_43 : vector<32xf32> to vector<32x1xf32>
    %div3A_45 = arith.constant 1.000000e+04 : f32
    %div3A_46 = vector.broadcast %div3A_45 : f32 to vector<32x1xf32>
    %div3A_47 = arith.divf %broadcast_in_dim3A_44, %div3A_46 : vector<32x1xf32>
    %sub3A_48 = vector.broadcast %div3A_40 : vector<32x1xf32> to vector<32x10000xf32>
    %sub3A_49 = arith.subf %max3A_31, %sub3A_48 : vector<32x10000xf32>
    %add3A_50 = arith.constant 9.99999974E-6 : f32
    %add3A_51 = vector.broadcast %add3A_50 : f32 to vector<32x1xf32>
    %add3A_52 = arith.addf %div3A_47, %add3A_51 : vector<32x1xf32>
    %rsqrt3A = math.rsqrt %add3A_52 : vector<32x1xf32>
    %mul3A = vector.broadcast %rsqrt3A : vector<32x1xf32> to vector<32x10000xf32>
    %mul3A_53 = arith.mulf %sub3A_49, %mul3A : vector<32x10000xf32>
    %mul3A_54 = vector.broadcast %get3A_34 : vector<32x1xf32> to vector<32x10000xf32>
    %mul3A_55 = arith.mulf %mul3A_53, %mul3A_54 : vector<32x10000xf32>
    %add3A_56 = vector.broadcast %get3A_37 : vector<32x1xf32> to vector<32x10000xf32>
    %add3A_57 = arith.addf %mul3A_55, %add3A_56 : vector<32x10000xf32>
    %iota3A = tpu.iota {dimensions = array<i32: 1>} : vector<10000x128xi32>
    %get3A_58 = arith.constant 0 : index
    %get3A_59 = arith.constant 0 : index
    %get3A_60 = vector.load %arg8[%get3A_58, %get3A_59] : memref<10000x1xi32, #tpu.memory_space<vmem>>, vector<10000x1xi32>
    %eq3A = vector.broadcast %get3A_60 : vector<10000x1xi32> to vector<10000x128xi32>
    %eq3A_61 = arith.cmpi eq, %eq3A, %iota3A : vector<10000x128xi32>
    %convert_element_type3A_62 = arith.extui %eq3A_61 : vector<10000x128xi1> to vector<10000x128xi32>
    %convert_element_type3A_63 = arith.sitofp %convert_element_type3A_62 : vector<10000x128xi32> to vector<10000x128xf32>
    %dot_general3A_64 = arith.constant dense<0.000000e+00> : vector<32x128xf32>
    %dot_general3A_65 = tpu.matmul %add3A_57, %convert_element_type3A_63, %dot_general3A_64 {dimension_numbers = #tpu.dot_dimension_numbers<[1], [0], [0], [1], [0, 0, 1, 1], [], []>, precision = #tpu.contract_precision<fp32>, transpose_lhs_hint = false} : vector<32x10000xf32>, vector<10000x128xf32>, vector<32x128xf32> -> vector<32x128xf32>
    %get3A_66 = arith.constant 0 : index
    %get3A_67 = arith.constant 0 : index
    %get3A_68 = vector.load %arg9[%get3A_66, %get3A_67] : memref<64x32xf32, #tpu.memory_space<vmem>>, vector<64x32xf32>
    %convert_element_type3A_69 = arith.truncf %get3A_68 : vector<64x32xf32> to vector<64x32xbf16>
    %convert_element_type3A_70 = arith.truncf %dot_general3A_65 : vector<32x128xf32> to vector<32x128xbf16>
    %dot_general3A_71 = arith.constant dense<0.000000e+00> : vector<64x128xf32>
    %dot_general3A_72 = tpu.matmul %convert_element_type3A_69, %convert_element_type3A_70, %dot_general3A_71 {dimension_numbers = #tpu.dot_dimension_numbers<[1], [0], [0], [1], [0, 0, 1, 1], [], []>, transpose_lhs_hint = false} : vector<64x32xbf16>, vector<32x128xbf16>, vector<64x128xf32> -> vector<64x128xf32>
    %get3A_73 = arith.constant 0 : index
    %get3A_74 = arith.constant 0 : index
    %get3A_75 = vector.load %arg10[%get3A_73, %get3A_74] : memref<64x1xf32, #tpu.memory_space<vmem>>, vector<64x1xf32>
    %add3A_76 = vector.broadcast %get3A_75 : vector<64x1xf32> to vector<64x128xf32>
    %add3A_77 = arith.addf %dot_general3A_72, %add3A_76 : vector<64x128xf32>
    %max3A_78 = arith.constant 0.000000e+00 : f32
    %max3A_79 = vector.broadcast %max3A_78 : f32 to vector<64x128xf32>
    %max3A_80 = arith.maximumf %add3A_77, %max3A_79 : vector<64x128xf32>
    %get3A_81 = arith.constant 0 : index
    %get3A_82 = arith.constant 0 : index
    %get3A_83 = vector.load %arg11[%get3A_81, %get3A_82] : memref<32x64xf32, #tpu.memory_space<vmem>>, vector<32x64xf32>
    %convert_element_type3A_84 = arith.truncf %get3A_83 : vector<32x64xf32> to vector<32x64xbf16>
    %convert_element_type3A_85 = arith.truncf %max3A_80 : vector<64x128xf32> to vector<64x128xbf16>
    %dot_general3A_86 = arith.constant dense<0.000000e+00> : vector<32x128xf32>
    %dot_general3A_87 = tpu.matmul %convert_element_type3A_84, %convert_element_type3A_85, %dot_general3A_86 {dimension_numbers = #tpu.dot_dimension_numbers<[1], [0], [0], [1], [0, 0, 1, 1], [], []>, transpose_lhs_hint = false} : vector<32x64xbf16>, vector<64x128xbf16>, vector<32x128xf32> -> vector<32x128xf32>
    %get3A_88 = arith.constant 0 : index
    %get3A_89 = arith.constant 0 : index
    %get3A_90 = vector.load %arg12[%get3A_88, %get3A_89] : memref<32x1xf32, #tpu.memory_space<vmem>>, vector<32x1xf32>
    %add3A_91 = vector.broadcast %get3A_90 : vector<32x1xf32> to vector<32x128xf32>
    %add3A_92 = arith.addf %dot_general3A_87, %add3A_91 : vector<32x128xf32>
    %get3A_93 = arith.constant 0 : index
    %get3A_94 = arith.constant 0 : index
    %get3A_95 = vector.load %arg13[%get3A_93, %get3A_94] : memref<16x32xf32, #tpu.memory_space<vmem>>, vector<16x32xf32>
    %convert_element_type3A_96 = arith.truncf %get3A_95 : vector<16x32xf32> to vector<16x32xbf16>
    %convert_element_type3A_97 = arith.truncf %add3A_92 : vector<32x128xf32> to vector<32x128xbf16>
    %dot_general3A_98 = arith.constant dense<0.000000e+00> : vector<16x128xf32>
    %dot_general3A_99 = tpu.matmul %convert_element_type3A_96, %convert_element_type3A_97, %dot_general3A_98 {dimension_numbers = #tpu.dot_dimension_numbers<[1], [0], [0], [1], [0, 0, 1, 1], [], []>, transpose_lhs_hint = false} : vector<16x32xbf16>, vector<32x128xbf16>, vector<16x128xf32> -> vector<16x128xf32>
    %get3A_100 = arith.constant 0 : index
    %get3A_101 = arith.constant 0 : index
    %get3A_102 = vector.load %arg14[%get3A_100, %get3A_101] : memref<16x1xf32, #tpu.memory_space<vmem>>, vector<16x1xf32>
    %add3A_103 = vector.broadcast %get3A_102 : vector<16x1xf32> to vector<16x128xf32>
    %add3A_104 = arith.addf %dot_general3A_99, %add3A_103 : vector<16x128xf32>
    %get3A_105 = arith.constant 0 : index
    %get3A_106 = arith.constant 0 : index
    %get3A_107 = vector.load %arg15[%get3A_105, %get3A_106] : memref<8x16xf32, #tpu.memory_space<vmem>>, vector<8x16xf32>
    %convert_element_type3A_108 = arith.truncf %get3A_107 : vector<8x16xf32> to vector<8x16xbf16>
    %convert_element_type3A_109 = arith.truncf %add3A_104 : vector<16x128xf32> to vector<16x128xbf16>
    %dot_general3A_110 = arith.constant dense<0.000000e+00> : vector<8x128xf32>
    %dot_general3A_111 = tpu.matmul %convert_element_type3A_108, %convert_element_type3A_109, %dot_general3A_110 {dimension_numbers = #tpu.dot_dimension_numbers<[1], [0], [0], [1], [0, 0, 1, 1], [], []>, transpose_lhs_hint = false} : vector<8x16xbf16>, vector<16x128xbf16>, vector<8x128xf32> -> vector<8x128xf32>
    %get3A_112 = arith.constant 0 : index
    %get3A_113 = arith.constant 0 : index
    %get3A_114 = vector.load %arg16[%get3A_112, %get3A_113] : memref<8x1xf32, #tpu.memory_space<vmem>>, vector<8x1xf32>
    %add3A_115 = vector.broadcast %get3A_114 : vector<8x1xf32> to vector<8x128xf32>
    %add3A_116 = arith.addf %dot_general3A_111, %add3A_115 : vector<8x128xf32>
    %get3A_117 = arith.constant 0 : index
    %get3A_118 = arith.constant 0 : index
    %get3A_119 = vector.load %arg17[%get3A_117, %get3A_118] : memref<2x8xf32, #tpu.memory_space<vmem>>, vector<2x8xf32>
    %convert_element_type3A_120 = arith.truncf %get3A_119 : vector<2x8xf32> to vector<2x8xbf16>
    %convert_element_type3A_121 = arith.truncf %add3A_116 : vector<8x128xf32> to vector<8x128xbf16>
    %dot_general3A_122 = arith.constant dense<0.000000e+00> : vector<2x128xf32>
    %dot_general3A_123 = tpu.matmul %convert_element_type3A_120, %convert_element_type3A_121, %dot_general3A_122 {dimension_numbers = #tpu.dot_dimension_numbers<[1], [0], [0], [1], [0, 0, 1, 1], [], []>, transpose_lhs_hint = false} : vector<2x8xbf16>, vector<8x128xbf16>, vector<2x128xf32> -> vector<2x128xf32>
    %get3A_124 = arith.constant 0 : index
    %get3A_125 = arith.constant 0 : index
    %get3A_126 = vector.load %arg18[%get3A_124, %get3A_125] : memref<2x1xf32, #tpu.memory_space<vmem>>, vector<2x1xf32>
    %add3A_127 = vector.broadcast %get3A_126 : vector<2x1xf32> to vector<2x128xf32>
    %add3A_128 = arith.addf %dot_general3A_123, %add3A_127 : vector<2x128xf32>
    %get3A_129 = arith.constant 0 : index
    %get3A_130 = arith.constant 0 : index
    %get3A_131 = vector.load %arg19[%get3A_129, %get3A_130] : memref<1x2xf32, #tpu.memory_space<vmem>>, vector<1x2xf32>
    %convert_element_type3A_132 = arith.truncf %get3A_131 : vector<1x2xf32> to vector<1x2xbf16>
    %convert_element_type3A_133 = arith.truncf %add3A_128 : vector<2x128xf32> to vector<2x128xbf16>
    %dot_general3A_134 = arith.constant dense<0.000000e+00> : vector<1x128xf32>
    %dot_general3A_135 = tpu.matmul %convert_element_type3A_132, %convert_element_type3A_133, %dot_general3A_134 {dimension_numbers = #tpu.dot_dimension_numbers<[1], [0], [0], [1], [0, 0, 1, 1], [], []>, transpose_lhs_hint = false} : vector<1x2xbf16>, vector<2x128xbf16>, vector<1x128xf32> -> vector<1x128xf32>
    %get3A_136 = arith.constant 0 : index
    %get3A_137 = arith.constant 0 : index
    %get3A_138 = vector.load %arg20[%get3A_136, %get3A_137] : memref<1x1xf32, #tpu.memory_space<vmem>>, vector<1x1xf32>
    %add3A_139 = vector.broadcast %get3A_138 : vector<1x1xf32> to vector<1x128xf32>
    %add3A_140 = arith.addf %dot_general3A_135, %add3A_139 : vector<1x128xf32>
    %swap3A = arith.constant 0 : index
    %swap3A_141 = arith.constant 0 : index
    %swap3A_142 = vector.load %arg21[%swap3A, %swap3A_141] : memref<1x128xf32, #tpu.memory_space<vmem>>, vector<1x128xf32>
    tpu.vector_store %arg21[%swap3A, %swap3A_141], %add3A_140 {strides = array<i32>} : memref<1x128xf32, #tpu.memory_space<vmem>>, vector<1x128xf32>,
    return
  }
}

</mosaic_0001>

<sc_bundles>
// kernel: kernel.10.cloned.1.call-start
scs
__scs_entry_jumppad:
0x0: {  	(pc) =	sbr.rel $0x88, $3  }
0x1: {  	(tag) =	ssettag $0x0;
	lr =	simm.s32 $0x1  }
0x2: {  	[smem:$0x3F86] =	sst lr;
	_ =	strace $0xD0000000  }
0x3: {  	_ = 	snop  }
0x4: {  	_ = 	snop  }
0x5: {  	_ = 	snop  }
0x6: {  	_ = 	snop  }
0x7: {  	_ = 	snop  }
__scs_overlays_trampoline_lowered:
0x8: {  	[smem:$0x3F95] =	sst s0  }
0x9: {  	[smem:$0x3F96] =	sst s1  }
0xa: {  	[smem:$0x3F97] =	sst s2  }
0xb: {  	[smem:$0x3F98] =	sst s3  }
0xc: {  	[smem:$0x3F99] =	sst s4  }
0xd: {  	[smem:$0x3F9A] =	sst s5  }
0xe: {  	[smem:$0x3F9B] =	sst s6  }
0xf: {  	[smem:$0x3F9C] =	sst s7  }
0x10: {  	[smem:$0x3F9D] =	sst s8  }
0x11: {  	[smem:$0x3F9E] =	sst s9;
	s0 =	simm.s32 @!p0 $0x0  }
0x12: {  	s1 =	sld [smem:$0x3F84];
	s0 =	simm.s32 @p0 $0x1  }
0x13: {  	[smem:$0x3F9F] =	sst s0;
	s0 =	simm.s32 @!p1 $0x0  }
0x14: {  	s2 =	sld [smem:$0x3F83];
	s0 =	simm.s32 @p1 $0x1  }
0x15: {  	[smem:$0x3FA0] =	sst s0;
	s0 =	simm.s32 @!p2 $0x0  }
0x16: {  	s3 =	sld [smem:$0x3FDB];
	s0 =	simm.s32 @p2 $0x1  }
0x17: {  	s4 =	simm.s32 $0x1BF5;
	[smem:$0x3FA2] =	sst s0  }
0x18: {  	s0 =	sld [smem:$0x3F85];
	_ =	swait.ge [sflag:s4], $0x0  }
0x19: {  	s7 =	sld [smem:$0x3F86]  }
0x1a: {  	s8 =	sadd.s32 $0xFFFFE003, lr  }
0x1b: {  	s9 =	sadd.s32 $0xFFFFFEF7, lr;
	s5 =	simm.s32 $0xFFFFFFFF;
	p2 =	slt.u32 s8, $0xFFFFF086  }
0x1c: {  	p1 =	slt.u32 s9, $0xF7A;
	s5 =	simm.s32 @!p2 $0x0  }
0x1d: {  	s5 =	simm.s32 @p1 $0x1;
	p0 =	seq.s32 s7, s2  }
0x1e: {  	s7 =	smul.u32 @!p0 $0xF7A, s2;
	p2 =	seq.s32 @!p0 s5, $0x0  }
0x1f: {  	s9 =	smul.u32 $0xF7A, s1;
	s8 =	simm.s32 @!p0 $0x1BF5;
	p2 =	por !p2, p0  }
0x20: {  	[sflag:s8] =	ssyncset.s32 @!p0 $0xFFFFF086;
	s6 =	sadd.s32 @!p0 s3, s7;
	s7 =	simm.s32 @!p0 $0x108  }
0x21: {  	s3 =	sadd.s32 s3, s9;
	s6 =	sadd.s32 @!p0 $0x88, s6;
	s7 =	simm.s32 @p2 $0x1082  }
0x22: {  	[simem:s7], [sflag:s8] =	dma.local @!p0 [hbm:s6], $0xF7A  }
0x23: {  	s9 =	sor.u32 $0xD0000000, s2;
	s6 =	simm.s32 $0x108;
	_ =	swait.ge @!p0 [sflag:s8], $0x0  }
0x24: {  	s3 =	sadd.s32 $0x88, s3;
	s6 =	simm.s32 @!p1 $0x1082;
	[sflag:s4] =	ssyncset.s32 $0xFFFFF086  }
0x25: {  	[simem:s6], [sflag:s4] =	dma.local [hbm:s3], $0xF7A  }
0x26: {  	[smem:$0x3F86] =	sst s1;
	(tag) =	ssettag s2;
	_ =	strace s9  }
0x27: {  	s1 =	sld [smem:$0x3F96]  }
0x28: {  	s2 =	sld [smem:$0x3F97]  }
0x29: {  	s4 =	sld [smem:$0x3F99]  }
0x2a: {  	p0 =	seq.s32 s5, $0x0;
	s5 =	sld [smem:$0x3F9A]  }
0x2b: {  	s6 =	sld [smem:$0x3F9B]  }
0x2c: {  	s7 =	sld [smem:$0x3F9C]  }
0x2d: {  	s3 =	simm.s32 $0x108;
	s8 =	sld [smem:$0x3F9D]  }
0x2e: {  	s3 =	simm.s32 @!p0 $0x1082;
	s9 =	sld [smem:$0x3F9E]  }
0x2f: {  	lr =	sadd.s32 s0, s3;
	s0 =	sld [smem:$0x3F95]  }
0x30: {  	s3 =	sld [smem:$0x3F98]  }
0x31: {  	[smem:$0x3FA1] =	sst s10  }
0x32: {  	s10 =	sld [smem:$0x3F9F];
	_ =	sdelay $0x3  }
0x33: {  	p0 =	seq.s32 s10, $0x1;
	s10 =	sld [smem:$0x3FA1];
	_ =	sdelay $0x3  }
0x34: {  	[smem:$0x3FA1] =	sst s10  }
0x35: {  	s10 =	sld [smem:$0x3FA0];
	_ =	sdelay $0x3  }
0x36: {  	p1 =	seq.s32 s10, $0x1;
	s10 =	sld [smem:$0x3FA1];
	_ =	sdelay $0x3  }
0x37: {  	[smem:$0x3FA1] =	sst s10  }
0x38: {  	s10 =	sld [smem:$0x3FA2]  }
0x39: {  	_ = 	snop;
	(pc) =	sbr.ind lr, $3  }
0x3a: {  	_ = 	snop  }
0x3b: {  	_ = 	snop  }
0x3c: {  	p2 =	seq.s32 s10, $0x1;
	s10 =	sld [smem:$0x3FA1]  }
0x3d: {  	_ =	shalt  }
0x3e: {  	_ =	shalt  }
0x3f: {  	_ =	shalt  }
0x40: {  	_ =	shalt  }
0x41: {  	_ =	shalt  }
0x42: {  	_ =	shalt  }
0x43: {  	_ =	shalt  }
0x44: {  	_ =	shalt  }
0x45: {  	_ =	shalt  }
0x46: {  	_ =	shalt  }
0x47: {  	_ =	shalt  }
0x48: {  	_ =	shalt  }
0x49: {  	_ =	shalt  }
0x4a: {  	_ =	shalt  }
0x4b: {  	_ =	shalt  }
0x4c: {  	_ =	shalt  }
0x4d: {  	_ =	shalt  }
0x4e: {  	_ =	shalt  }
0x4f: {  	_ =	shalt  }
0x50: {  	_ =	shalt  }
0x51: {  	_ =	shalt  }
0x52: {  	_ =	shalt  }
0x53: {  	_ =	shalt  }
0x54: {  	_ =	shalt  }
0x55: {  	_ =	shalt  }
0x56: {  	_ =	shalt  }
0x57: {  	_ =	shalt  }
0x58: {  	_ =	shalt  }
0x59: {  	_ =	shalt  }
0x5a: {  	_ =	shalt  }
0x5b: {  	_ =	shalt  }
0x5c: {  	_ =	shalt  }
0x5d: {  	_ =	shalt  }
0x5e: {  	_ =	shalt  }
0x5f: {  	_ =	shalt  }
0x60: {  	_ =	shalt  }
0x61: {  	_ =	shalt  }
0x62: {  	_ =	shalt  }
0x63: {  	_ =	shalt  }
0x64: {  	_ =	shalt  }
0x65: {  	_ =	shalt  }
0x66: {  	_ =	shalt  }
0x67: {  	_ =	shalt  }
0x68: {  	_ =	shalt  }
0x69: {  	_ =	shalt  }
0x6a: {  	_ =	shalt  }
0x6b: {  	_ =	shalt  }
0x6c: {  	_ =	shalt  }
0x6d: {  	_ =	shalt  }
0x6e: {  	_ =	shalt  }
0x6f: {  	_ =	shalt  }
0x70: {  	_ =	shalt  }
0x71: {  	_ =	shalt  }
0x72: {  	_ =	shalt  }
0x73: {  	_ =	shalt  }
0x74: {  	_ =	shalt  }
0x75: {  	_ =	shalt  }
0x76: {  	_ =	shalt  }
0x77: {  	_ =	shalt  }
0x78: {  	_ =	shalt  }
0x79: {  	_ =	shalt  }
0x7a: {  	_ =	shalt  }
0x7b: {  	_ =	shalt  }
0x7c: {  	_ =	shalt  }
0x7d: {  	_ =	shalt  }
0x7e: {  	_ =	shalt  }
0x7f: {  	_ =	shalt  }
0x80: {  	_ =	shalt  }
0x81: {  	_ =	shalt  }
0x82: {  	_ =	shalt  }
0x83: {  	_ =	shalt  }
0x84: {  	_ =	shalt  }
0x85: {  	_ =	shalt  }
0x86: {  	_ =	shalt  }
0x87: {  	_ =	shalt  }
.Lfunc_end0:
.L_simem_size_0:
called_computation.1_lowered:
.L_overlay_start_0:
0x88: {  	s2 =	sld [smem:$0x3FD9]  }
0x89: {  	s3 =	sld [smem:$0x3FFE];
	_ =	sdelay $0x1  }
0x8a: {  	s1 =	srdreg.scid  }
0x8b: {  	s0 =	sand.u32 $0x1, s1  }
0x8c: {  	s16 =	sshll.u32 s0, $0xA;
	s2 =	sadd.s32 s3, s2  }
0x8d: {  	s2 =	sadd.s32 s2, s16  }
0x8e: {  	[smem:$0x3FAD] =	sst s2  }
0x8f: {  	_ = 	snop  }
0x90: {  	(tm) =	ssettm $0x1  }
0x91: {  	s17 =	sld [smem:$0x3FFB];
	_ =	sdelay $0x3  }
0x92: {  	_ =	strace s17  }
0x93: {  	s2 =	sld [smem:$0x3FFC];
	_ =	sdelay $0x3  }
0x94: {  	_ =	strace s2  }
0x95: {  	s2 =	sld [smem:$0x3FFD];
	_ =	sdelay $0x3  }
0x96: {  	_ =	strace s2  }
0x97: {  	_ =	strace $0x8FFFFFFF  }
0x98: {  	s18 =	sld [smem:$0x3FDB];
	_ =	sdelay $0x1  }
0x99: {  	s19 =	simm.s32 $_scs_section_size  }
0x9a: {  	s4 =	simm.s32 $_size__tile_overlayer_lowered;
	s5 =	simm.s32 $_tile_overlayer_lowered  }
0x9b: {  	s22 =	simm.s32 $0x1BFF;
	s21 =	sshll.u32 s5, $0x1;
	s2 =	sadd.s32 s19, s18  }
0x9c: {  	s6 =	simm.s32 $0x0;
	s20 =	sshll.u32 s4, $0x1;
	s4 =	sadd.s32 s21, s2  }
0x9d: {  	[timem:s6], [sflag:s22] =	dma.local [hbm:s4], s20  }
0x9e: {  	_ =	swait.ge [sflag:s22], s20  }
0x9f: {  	s3 =	ssub.s32 $0x0, s20;
	[sflag:s22] =	ssyncset.done $0x0  }
0xa0: {  	[sflag:s22] =	ssyncadd.s32 s3;
	_ =	sdelay $0x1  }
0xa1: {  	s23 =	simm.s32 $0x1B8B  }
0xa2: {  	_ =	swait.ge [sflag:s23], $0x1  }
0xa3: {  	[sflag:s23] =	ssyncset.done $0x0  }
0xa4: {  	s25 =	simm.s32 $0x1B8E;
	s24 =	sld [smem:$0x3FFE];
	[sflag:s23] =	ssyncadd.s32 $0xFFFFFFFF  }
0xa5: {  	s26 =	simm.s32 $execute0_lowered;
	[smem:$0x3FD2] =	sst s25  }
0xa6: {  	s4 =	sshll.u32 s26, $0x1;
	_ =	strace $0x80000049;
	[dreg:$0x1] =	wrdreg $0xFFFFFFFF  }
0xa7: {  	s28 =	simm.s32 $_size_execute0_lowered;
	s2 =	sadd.s32 s2, s4;
	[dreg:$0x0] =	wrdreg $0x0  }
0xa8: {  	s4 =	sshll.u32 s28, $0x1;
	[dreg:$0x2] =	wrdreg s2  }
0xa9: {  	[dreg:$0x3] =	wrdreg s4  }
0xaa: {  	[dreg:$0x4] =	wrdreg $0xC0  }
0xab: {  	_ =	task [dreg:s6], $0x5FFFF  }
0xac: {  	[dreg:$0x1] =	wrdreg $0xFFFFFFFF  }
0xad: {  	[dreg:$0x0] =	wrdreg $0x60  }
0xae: {  	[dreg:$0x2] =	wrdreg s24  }
0xaf: {  	[dreg:$0x3] =	wrdreg $0x9  }
0xb0: {  	_ =	task.clear_ibuf [dreg:s6], $0x4FFFF;
	_ =	strace $0x90000049  }
0xb1: {  	s29 =	simm.s32 $0x9;
	_ =	strace $0x8000004B  }
0xb2: {  	_ =	swait.ge [sflag:s29], $0x1  }
0xb3: {  	[sflag:s29] =	ssyncadd.s32 $0xFFFFFFFF  }
0xb4: {  	_ =	strace $0x9000004B  }
0xb5: {  	_ =	sfence  }
0xb6: {  	s30 =	sld [smem:$0x0];
	_ =	sdelay $0x2  }
0xb7: {  	s31 =	sshll.u32 s1, $0xD;
	s1 =	sshrl.u32 s1, $0x2  }
0xb8: {  	s3 =	sand.u32 $0x4000, s31;
	s1 =	sadd.s32 s1, s30  }
0xb9: {  	s0 =	sor.u32 s3, s0;
	s1 =	sshll.u32 s1, $0x11  }
0xba: {  	s0 =	sor.u32 s1, s0  }
0xbb: {  	s0 =	sadd.s32 $0x8F2B, s0  }
0xbc: {  	[sflag:s0] =	ssyncadd.remote.s32 $0x1  }
0xbd: {  	_ =	sfence.sel $0xFFFF  }
0xbe: {  	[dreg:$0x0] =	wrdreg $0xFFFFFFFF;
	(pc) =	sbr.abs _section_cstart, $3  }
0xbf: {  	[dreg:$0x1] =	wrdreg $0xFFFFFFFF  }
0xc0: {  	_ =	task.clear_ibuf [dreg:s6], $0x2FFFF;
	_ =	strace $0x9FFFFFFF  }
0xc1: {  	(tm) =	ssettm $0x7FFFFFFF  }
tec
execute0_lowered:
.L_overlay_start_1:
0x0: {  	(tag) =	ssettag $0x1  }
0x1: {  	s1 =	stileid.u32  }
0x2: {  	p0 =	sgt.u32 s1, $0xD  }
.Ltmp0:
0x3: {  	_ = 	snop;
	(pc) =	sbr.rel @p0 .LBB2_11-.Ltmp0, $4  }
0x4: {  	_ = 	snop  }
0x5: {  	s4 =	rddreg [dreg:$0x0];
	s2 =	simm.s32 $0x0  }
0x6: {  	[smem:$0x7FF] =	sst s2  }
0x7: {  	s0 =	rddreg [dreg:$0x1];
	_ =	strace $0x8000004A  }
0x8: {  	s3 =	srdreg.scid  }
0x9: {  	s30 =	sshll.u32 s1, $0x1;
	s5 =	sand.u32 $0x1, s3  }
0xa: {  	s8 =	simm.s32 $0x9C400;
	s6 =	sor.u32 s5, s30  }
0xb: {  	s9 =	sadd.s32 $0x17800, s4;
	p1 =	slt.u32 s30, $0x1C;
	s7 =	sadd.s32 $0xFFFFFFE4, s6  }
0xc: {  	s14 =	simm.s32 $0x9C40;
	s15 =	simm.s32 $0x2;
	s7 =	smov.u32 @p1 s6  }
0xd: {  	s3 =	simm.s32 $0x111700;
	s8 =	simm.s32 @!p0 $0x0;
	s6 =	smul.u32 $0x9C40, s7  }
0xe: {  	s16 =	simm.s32 $0x0;
	s3 =	simm.s32 @!p0 $0x0;
	s10 =	sshrl.u32 s8, $0x3  }
0xf: {  	s31 =	ssub.s32 $0x2, s5;
	s5 =	sadd.s32 $0x3E80, s8;
	s6 =	sadd.s32 s3, s6  }
0x10: {  	s13 =	smul.u32 $0x1388, s7;
	s3 =	sadd.s32 $0x3E00, s4;
	s6 =	sshrl.u32 s6, $0x3  }
0x11: {  	s12 =	sshrl.u32 s31, $0x1;
	s11 =	sadd.s32 s6, s4;
	s4 =	sadd.s32 s3, s10  }
0x12: {  	s6 =	sadd.s32 $0x7D00, s8;
	s10 =	ssub.s32 s31, s12;
	s8 =	sadd.s32 s9, s13  }
0x13: {  	s12 =	simm.s32 $0x17700;
	s13 =	simm.s32 $0x1;
	s7 =	sadd.s32 $0x39C00, s11  }
0x14: {  	v0 =	vimm.f32 $0.0e+00;
	s9 =	smax.u32 s10, $0x1;
	s10 =	simm.s32 $0x3;
	s11 =	simm.s32 $0x13880  }
.LBB2_2:
0x15: {  	s17 =	simm.s32 $0x0  }
0x16: {  	[tilespmem:s17], [sflag:$0x3] =	stream.linear.gather [hbm4b:s8+s17], $0x9C40, $0x38;
	[tilespmem:$0x1B580] =	vst v63  }
0x17: {  	_ =	swait.ge [sflag:s10], $0x9C40  }
0x18: {  	[sflag:s10] =	ssyncset.done $0x0  }
0x19: {  	s18 =	simm.s32 $0x40;
	s17 =	simm.s32 $0x0;
	[sflag:s10] =	ssyncadd.s32 $0xFFFF63C0  }
.LBB2_3:
0x1a: {  	p0 =	sne.s32 s18, $0x9C00;
	[tilespmem:s17+$0x11170] =	vst v0;
	s19 =	smov.u32 s18;
	s18 =	sadd.s32 $0x40, s18  }
.Ltmp1:
0x1b: {  	[tilespmem:s17+$0xEA60] =	vst v0;
	(pc) =	sbr.rel @p0 .LBB2_3-.Ltmp1, $3  }
0x1c: {  	[tilespmem:s17+$0x9C40] =	vst v0  }
0x1d: {  	[tilespmem:s17+$0xC350] =	vst v0;
	_ =	sdelay $0x1  }
0x1e: {  	s17 =	sshra.s32 s19, $0x2  }
0x1f: {  	[tilespmem:s17+$0x11170] =	vst v0  }
0x20: {  	[tilespmem:s17+$0xEA60] =	vst v0  }
0x21: {  	[tilespmem:s17+$0x9C40] =	vst v0  }
0x22: {  	[tilespmem:s17+$0xC350] =	vst v0;
	s17 =	simm.s32 $0x0  }
0x23: {  	[tilespmem:s11], [sflag:$0x1] =	stream.linear.gather [hbm4b:s4+s17], $0x3E80, $0x38;
	[tilespmem:$0x1B580] =	vst v63  }
.LBB2_5:
0x24: {  	s18 =	smul.u32 $0x7D00, s17;
	_ =	sdelay $0x1  }
0x25: {  	s19 =	sadd.s32 s18, s5  }
0x26: {  	s19 =	sshrl.u32 s19, $0x3  }
0x27: {  	s19 =	sadd.s32 s3, s19  }
0x28: {  	[tilespmem:s12], [sflag:$0x2] =	stream.linear.gather [hbm4b:s19+s2], $0x3E80, $0x38;
	[tilespmem:$0x1B580] =	vst v63  }
0x29: {  	_ =	swait.ge [sflag:s13], $0x3E80  }
0x2a: {  	[sflag:s13] =	ssyncset.done $0x0  }
0x2b: {  	s31 =	simm.s32 $0x138C0;
	[sflag:s13] =	ssyncadd.s32 $0xFFFFC180  }
0x2c: {  	v1 =	vld [tilespmem:s31+$0x30]  }
0x2d: {  	v2 =	vld [tilespmem:s31+$0xFFFFFFD0]  }
0x2e: {  	v3 =	vld [tilespmem:s31+$0xFFFFFFE0]  }
0x2f: {  	v4 =	vld [tilespmem:s31+$0xFFFFFFF0]  }
0x30: {  	v5 =	vld [tilespmem:s31+$0x0]  }
0x31: {  	v6 =	vld [tilespmem:s31+$0x10];
	v7 =	vand.u32 $0xFFFF, v1  }
0x32: {  	v10 =	vld [tilespmem:s31+$0xFFFFFFC0];
	v8 =	vand.u32 $0xFFFF, v2  }
0x33: {  	v12 =	vld [tilespmem:s31+$0x20];
	v9 =	vand.u32 $0xFFFF, v3  }
0x34: {  	v11 =	vand.u32 $0xFFFF, v4  }
0x35: {  	v13 =	vand.u32 $0xFFFF, v5  }
0x36: {  	v14 =	vand.u32 $0xFFFF, v6;
	v15 =	vld.idx.msk [tilespmem:v7+s2+$0x0], $0xffff  }
0x37: {  	v19 =	vand.u32 $0xFFFF, v10;
	v16 =	vld.idx.msk [tilespmem:v8+s2+$0x0], $0xffff  }
0x38: {  	v21 =	vand.u32 $0xFFFF, v12;
	v17 =	vld.idx.msk [tilespmem:v9+s2+$0x0], $0xffff  }
0x39: {  	v1 =	vshrl.u32 v1, $0x10;
	v20 =	vld.idx.msk [tilespmem:v11+s2+$0x0], $0xffff  }
0x3a: {  	v2 =	vshrl.u32 v2, $0x10;
	v22 =	vld.idx.msk [tilespmem:v13+s2+$0x0], $0xffff  }
0x3b: {  	v3 =	vshrl.u32 v3, $0x10;
	v23 =	vld.idx.msk [tilespmem:v14+s2+$0x0], $0xffff  }
0x3c: {  	v4 =	vshrl.u32 v4, $0x10;
	v63 =	vld.idx.msk [tilespmem:v19+s2+$0x0], $0xffff  }
0x3d: {  	v10 =	vshrl.u32 v10, $0x10;
	v25 =	vld.idx.msk [tilespmem:v21+s2+$0x0], $0xffff  }
0x3e: {  	v5 =	vshrl.u32 v5, $0x10;
	[tilespmem:v1+s14+$0x0] =	vst.idx.add.f32.msk $0xffff, v15  }
0x3f: {  	v6 =	vshrl.u32 v6, $0x10;
	[tilespmem:v2+s14+$0x0] =	vst.idx.add.f32.msk $0xffff, v16  }
0x40: {  	v12 =	vshrl.u32 v12, $0x10;
	[tilespmem:v3+s14+$0x0] =	vst.idx.add.f32.msk $0xffff, v17  }
0x41: {  	v18 =	vadd.s32 $0x2710, v7;
	[tilespmem:v4+s14+$0x0] =	vst.idx.add.f32.msk $0xffff, v20  }
0x42: {  	v31 =	vadd.s32 $0x2710, v8;
	[tilespmem:v10+s14+$0x0] =	vst.idx.add.f32.msk $0xffff, v63  }
0x43: {  	v32 =	vadd.s32 $0x2710, v9;
	[tilespmem:v5+s14+$0x0] =	vst.idx.add.f32.msk $0xffff, v22  }
0x44: {  	v33 =	vadd.s32 $0x2710, v11;
	[tilespmem:v6+s14+$0x0] =	vst.idx.add.f32.msk $0xffff, v23  }
0x45: {  	v34 =	vadd.s32 $0x2710, v13;
	[tilespmem:v12+s14+$0x0] =	vst.idx.add.f32.msk $0xffff, v25  }
0x46: {  	v35 =	vadd.s32 $0x2710, v14;
	v15 =	vld.idx.msk [tilespmem:v18+s2+$0x0], $0xffff  }
0x47: {  	v24 =	vadd.s32 $0x2710, v1;
	v36 =	vld.idx.msk [tilespmem:v31+s2+$0x0], $0xffff  }
0x48: {  	v28 =	vadd.s32 $0x2710, v19;
	v20 =	vld.idx.msk [tilespmem:v32+s2+$0x0], $0xffff  }
0x49: {  	v26 =	vadd.s32 $0x4E20, v7;
	v22 =	vld.idx.msk [tilespmem:v33+s2+$0x0], $0xffff  }
0x4a: {  	v39 =	vadd.s32 $0x2710, v2;
	v23 =	vld.idx.msk [tilespmem:v34+s2+$0x0], $0xffff  }
0x4b: {  	v40 =	vadd.s32 $0x2710, v3;
	v16 =	vld.idx.msk [tilespmem:v35+s2+$0x0], $0xffff  }
0x4c: {  	v27 =	vadd.s32 $0x2710, v4;
	[tilespmem:v24+s14+$0x0] =	vst.idx.add.f32.msk $0xffff, v15  }
0x4d: {  	v41 =	vadd.s32 $0x2710, v6;
	v15 =	vld.idx.msk [tilespmem:v28+s2+$0x0], $0xffff  }
0x4e: {  	v30 =	vadd.s32 $0x4E20, v1;
	v29 =	vld.idx.msk [tilespmem:v26+s2+$0x0], $0xffff  }
0x4f: {  	v7 =	vadd.s32 $0x7530, v7;
	[tilespmem:v39+s14+$0x0] =	vst.idx.add.f32.msk $0xffff, v36  }
0x50: {  	v44 =	vadd.s32 $0x4E20, v8;
	[tilespmem:v40+s14+$0x0] =	vst.idx.add.f32.msk $0xffff, v20  }
0x51: {  	v45 =	vadd.s32 $0x4E20, v9;
	[tilespmem:v27+s14+$0x0] =	vst.idx.add.f32.msk $0xffff, v22  }
0x52: {  	v38 =	vadd.s32 $0x2710, v10;
	[tilespmem:v41+s14+$0x0] =	vst.idx.add.f32.msk $0xffff, v16  }
0x53: {  	v43 =	vadd.s32 $0x4E20, v19;
	[tilespmem:v30+s14+$0x0] =	vst.idx.add.f32.msk $0xffff, v29  }
0x54: {  	v1 =	vadd.s32 $0x7530, v1;
	v7 =	vld.idx.msk [tilespmem:v7+s2+$0x0], $0xffff  }
0x55: {  	v37 =	vadd.s32 $0x2710, v21;
	v49 =	vld.idx.msk [tilespmem:v44+s2+$0x0], $0xffff  }
0x56: {  	v51 =	vadd.s32 $0x4E20, v2;
	v22 =	vld.idx.msk [tilespmem:v45+s2+$0x0], $0xffff  }
0x57: {  	v52 =	vadd.s32 $0x4E20, v3;
	[tilespmem:v38+s14+$0x0] =	vst.idx.add.f32.msk $0xffff, v15  }
0x58: {  	v8 =	vadd.s32 $0x7530, v8;
	v47 =	vld.idx.msk [tilespmem:v43+s2+$0x0], $0xffff  }
0x59: {  	[tilespmem:v1+s14+$0x0] =	vst.idx.add.f32.msk $0xffff, v7;
	v1 =	vadd.s32 $0x2710, v5  }
0x5a: {  	v42 =	vadd.s32 $0x2710, v12;
	v7 =	vld.idx.msk [tilespmem:v37+s2+$0x0], $0xffff  }
0x5b: {  	v50 =	vadd.s32 $0x4E20, v10;
	[tilespmem:v51+s14+$0x0] =	vst.idx.add.f32.msk $0xffff, v49  }
0x5c: {  	v57 =	vadd.s32 $0x7530, v19;
	[tilespmem:v52+s14+$0x0] =	vst.idx.add.f32.msk $0xffff, v22  }
0x5d: {  	v2 =	vadd.s32 $0x7530, v2;
	v8 =	vld.idx.msk [tilespmem:v8+s2+$0x0], $0xffff  }
0x5e: {  	[tilespmem:v1+s14+$0x0] =	vst.idx.add.f32.msk $0xffff, v23;
	v1 =	vadd.s32 $0x4E20, v11  }
0x5f: {  	[tilespmem:v42+s14+$0x0] =	vst.idx.add.f32.msk $0xffff, v7;
	v7 =	vadd.s32 $0x4E20, v14  }
0x60: {  	v46 =	vadd.s32 $0x4E20, v13;
	[tilespmem:v50+s14+$0x0] =	vst.idx.add.f32.msk $0xffff, v47  }
0x61: {  	v48 =	vadd.s32 $0x4E20, v21;
	v60 =	vld.idx.msk [tilespmem:v57+s2+$0x0], $0xffff  }
0x62: {  	v10 =	vadd.s32 $0x7530, v10;
	[tilespmem:v2+s14+$0x0] =	vst.idx.add.f32.msk $0xffff, v8  }
0x63: {  	v53 =	vadd.s32 $0x4E20, v4;
	v1 =	vld.idx.msk [tilespmem:v1+s2+$0x0], $0xffff  }
0x64: {  	v55 =	vadd.s32 $0x4E20, v6;
	v7 =	vld.idx.msk [tilespmem:v7+s2+$0x0], $0xffff  }
0x65: {  	v54 =	vadd.s32 $0x4E20, v5;
	v16 =	vld.idx.msk [tilespmem:v46+s2+$0x0], $0xffff  }
0x66: {  	v56 =	vadd.s32 $0x4E20, v12;
	v17 =	vld.idx.msk [tilespmem:v48+s2+$0x0], $0xffff  }
0x67: {  	v58 =	vadd.s32 $0x7530, v11;
	[tilespmem:v10+s14+$0x0] =	vst.idx.add.f32.msk $0xffff, v60  }
0x68: {  	[tilespmem:v53+s14+$0x0] =	vst.idx.add.f32.msk $0xffff, v1;
	v1 =	vadd.s32 $0x7530, v9  }
0x69: {  	[tilespmem:v55+s14+$0x0] =	vst.idx.add.f32.msk $0xffff, v7;
	v7 =	vadd.s32 $0x7530, v13  }
0x6a: {  	v61 =	vadd.s32 $0x7530, v21;
	[tilespmem:v54+s14+$0x0] =	vst.idx.add.f32.msk $0xffff, v16  }
0x6b: {  	v59 =	vadd.s32 $0x7530, v14;
	[tilespmem:v56+s14+$0x0] =	vst.idx.add.f32.msk $0xffff, v17  }
0x6c: {  	v63 =	vadd.s32 $0x7530, v4;
	v9 =	vld.idx.msk [tilespmem:v58+s2+$0x0], $0xffff  }
0x6d: {  	v62 =	vadd.s32 $0x7530, v3;
	v1 =	vld.idx.msk [tilespmem:v1+s2+$0x0], $0xffff  }
0x6e: {  	v5 =	vadd.s32 $0x7530, v5;
	v7 =	vld.idx.msk [tilespmem:v7+s2+$0x0], $0xffff  }
0x6f: {  	v3 =	vld.idx.msk [tilespmem:v61+s2+$0x0], $0xffff  }
0x70: {  	v4 =	vld.idx.msk [tilespmem:v59+s2+$0x0], $0xffff  }
0x71: {  	[tilespmem:v63+s14+$0x0] =	vst.idx.add.f32.msk $0xffff, v9  }
0x72: {  	[tilespmem:v62+s14+$0x0] =	vst.idx.add.f32.msk $0xffff, v1  }
0x73: {  	s20 =	simm.s32 $0x13940;
	s19 =	simm.s32 $0x0;
	v2 =	vadd.s32 $0x7530, v6;
	v1 =	vadd.s32 $0x7530, v12;
	[tilespmem:v5+s14+$0x0] =	vst.idx.add.f32.msk $0xffff, v7  }
.LBB2_6:
0x74: {  	v5 =	vld [tilespmem:s20+$0x30];
	s19 =	sadd.s32 $0x8, s19  }
0x75: {  	v6 =	vld [tilespmem:s20+$0xFFFFFFD0];
	p0 =	slt.u32 s19, $0x3E0  }
0x76: {  	v7 =	vld [tilespmem:s20+$0xFFFFFFE0]  }
0x77: {  	v8 =	vld [tilespmem:s20+$0xFFFFFFF0]  }
0x78: {  	v9 =	vld [tilespmem:s20+$0x0]  }
0x79: {  	v10 =	vld [tilespmem:s20+$0x10];
	v11 =	vand.u32 $0xFFFF, v5  }
0x7a: {  	v12 =	vshrl.u32 v6, $0x10;
	v6 =	vand.u32 $0xFFFF, v6;
	v13 =	vld [tilespmem:s20+$0x20]  }
0x7b: {  	v14 =	vld [tilespmem:s20+$0xFFFFFFC0];
	v15 =	vadd.s32 $0x2710, v6;
	v16 =	vshrl.u32 v7, $0x10;
	v7 =	vand.u32 $0xFFFF, v7  }
0x7c: {  	v17 =	vadd.s32 $0x2710, v7;
	v18 =	vshrl.u32 v8, $0x10;
	v8 =	vand.u32 $0xFFFF, v8;
	[tilespmem:v2+s14+$0x0] =	vst.idx.add.f32.msk $0xffff, v4  }
0x7d: {  	v4 =	vadd.s32 $0x2710, v8;
	v2 =	vshrl.u32 v9, $0x10;
	v9 =	vand.u32 $0xFFFF, v9;
	[tilespmem:v1+s14+$0x0] =	vst.idx.add.f32.msk $0xffff, v3  }
0x7e: {  	v3 =	vadd.s32 $0x2710, v9;
	v19 =	vshrl.u32 v10, $0x10;
	v1 =	vand.u32 $0xFFFF, v10;
	v10 =	vld.idx.msk [tilespmem:v11+s2+$0x0], $0xffff  }
0x7f: {  	v5 =	vshrl.u32 v5, $0x10;
	v20 =	vld.idx.msk [tilespmem:v6+s2+$0x0], $0xffff;
	v21 =	vshrl.u32 v13, $0x10;
	v13 =	vand.u32 $0xFFFF, v13  }
0x80: {  	v24 =	vadd.s32 $0x2710, v11;
	v22 =	vshrl.u32 v14, $0x10;
	v14 =	vand.u32 $0xFFFF, v14;
	v23 =	vld.idx.msk [tilespmem:v7+s2+$0x0], $0xffff  }
0x81: {  	v27 =	vadd.s32 $0x2710, v1;
	v28 =	vadd.s32 $0x2710, v13;
	v25 =	vadd.s32 $0x2710, v14;
	v26 =	vld.idx.msk [tilespmem:v8+s2+$0x0], $0xffff  }
0x82: {  	v30 =	vadd.s32 $0x2710, v12;
	v31 =	vadd.s32 $0x2710, v16;
	v29 =	vadd.s32 $0x2710, v22;
	v32 =	vld.idx.msk [tilespmem:v9+s2+$0x0], $0xffff  }
0x83: {  	v33 =	vadd.s32 $0x2710, v18;
	v34 =	vadd.s32 $0x2710, v2;
	v36 =	vadd.s32 $0x2710, v19;
	v35 =	vld.idx.msk [tilespmem:v1+s2+$0x0], $0xffff  }
0x84: {  	v38 =	vadd.s32 $0x4E20, v6;
	v39 =	vadd.s32 $0x2710, v21;
	v37 =	vadd.s32 $0x4E20, v14;
	[tilespmem:v5+s14+$0x0] =	vst.idx.add.f32.msk $0xffff, v10  }
0x85: {  	v40 =	vadd.s32 $0x4E20, v8;
	v41 =	vadd.s32 $0x4E20, v9;
	v10 =	vadd.s32 $0x4E20, v7;
	v24 =	vld.idx.msk [tilespmem:v24+s2+$0x0], $0xffff  }
0x86: {  	v45 =	vadd.s32 $0x2710, v5;
	v43 =	vadd.s32 $0x4E20, v1;
	v44 =	vadd.s32 $0x4E20, v13;
	v42 =	vld.idx.msk [tilespmem:v14+s2+$0x0], $0xffff  }
0x87: {  	v49 =	vadd.s32 $0x4E20, v11;
	v47 =	vadd.s32 $0x4E20, v12;
	v46 =	vadd.s32 $0x4E20, v22;
	v48 =	vld.idx.msk [tilespmem:v13+s2+$0x0], $0xffff  }
0x88: {  	v50 =	vadd.s32 $0x4E20, v18;
	v51 =	vadd.s32 $0x4E20, v2;
	[tilespmem:v12+s14+$0x0] =	vst.idx.add.f32.msk $0xffff, v20;
	v20 =	vadd.s32 $0x4E20, v16  }
0x89: {  	v52 =	vadd.s32 $0x4E20, v21;
	v14 =	vadd.s32 $0x7530, v14;
	[tilespmem:v16+s14+$0x0] =	vst.idx.add.f32.msk $0xffff, v23;
	v23 =	vadd.s32 $0x4E20, v19  }
0x8a: {  	v6 =	vadd.s32 $0x7530, v6;
	v8 =	vadd.s32 $0x7530, v8;
	v7 =	vadd.s32 $0x7530, v7;
	[tilespmem:v18+s14+$0x0] =	vst.idx.add.f32.msk $0xffff, v26  }
0x8b: {  	v9 =	vadd.s32 $0x7530, v9;
	v13 =	vadd.s32 $0x7530, v13;
	v26 =	vadd.s32 $0x7530, v1;
	[tilespmem:v45+s14+$0x0] =	vst.idx.add.f32.msk $0xffff, v24  }
0x8c: {  	v12 =	vadd.s32 $0x7530, v12;
	v16 =	vadd.s32 $0x7530, v16;
	v24 =	vadd.s32 $0x7530, v22;
	v45 =	vld.idx.msk [tilespmem:v49+s2+$0x0], $0xffff  }
0x8d: {  	v18 =	vadd.s32 $0x7530, v18;
	[tilespmem:v22+s14+$0x0] =	vst.idx.add.f32.msk $0xffff, v42;
	v22 =	vadd.s32 $0x7530, v2;
	v42 =	vadd.s32 $0x4E20, v5  }
0x8e: {  	v11 =	vadd.s32 $0x7530, v11;
	v1 =	vadd.s32 $0x7530, v21;
	[tilespmem:v2+s14+$0x0] =	vst.idx.add.f32.msk $0xffff, v32;
	v2 =	vadd.s32 $0x7530, v19  }
0x8f: {  	[tilespmem:v19+s14+$0x0] =	vst.idx.add.f32.msk $0xffff, v35  }
0x90: {  	[tilespmem:v21+s14+$0x0] =	vst.idx.add.f32.msk $0xffff, v48  }
0x91: {  	v19 =	vld.idx.msk [tilespmem:v25+s2+$0x0], $0xffff  }
0x92: {  	[tilespmem:v42+s14+$0x0] =	vst.idx.add.f32.msk $0xffff, v45  }
0x93: {  	v11 =	vld.idx.msk [tilespmem:v11+s2+$0x0], $0xffff  }
0x94: {  	v5 =	vadd.s32 $0x7530, v5;
	v15 =	vld.idx.msk [tilespmem:v15+s2+$0x0], $0xffff  }
0x95: {  	v17 =	vld.idx.msk [tilespmem:v17+s2+$0x0], $0xffff  }
0x96: {  	v4 =	vld.idx.msk [tilespmem:v4+s2+$0x0], $0xffff  }
0x97: {  	v3 =	vld.idx.msk [tilespmem:v3+s2+$0x0], $0xffff  }
0x98: {  	v21 =	vld.idx.msk [tilespmem:v27+s2+$0x0], $0xffff  }
0x99: {  	[tilespmem:v5+s14+$0x0] =	vst.idx.add.f32.msk $0xffff, v11  }
0x9a: {  	v5 =	vld.idx.msk [tilespmem:v28+s2+$0x0], $0xffff  }
0x9b: {  	[tilespmem:v29+s14+$0x0] =	vst.idx.add.f32.msk $0xffff, v19  }
0x9c: {  	[tilespmem:v30+s14+$0x0] =	vst.idx.add.f32.msk $0xffff, v15  }
0x9d: {  	[tilespmem:v31+s14+$0x0] =	vst.idx.add.f32.msk $0xffff, v17  }
0x9e: {  	[tilespmem:v33+s14+$0x0] =	vst.idx.add.f32.msk $0xffff, v4  }
0x9f: {  	[tilespmem:v34+s14+$0x0] =	vst.idx.add.f32.msk $0xffff, v3  }
0xa0: {  	[tilespmem:v36+s14+$0x0] =	vst.idx.add.f32.msk $0xffff, v21  }
0xa1: {  	[tilespmem:v39+s14+$0x0] =	vst.idx.add.f32.msk $0xffff, v5  }
0xa2: {  	v3 =	vld.idx.msk [tilespmem:v37+s2+$0x0], $0xffff  }
0xa3: {  	v4 =	vld.idx.msk [tilespmem:v38+s2+$0x0], $0xffff  }
0xa4: {  	v5 =	vld.idx.msk [tilespmem:v10+s2+$0x0], $0xffff  }
0xa5: {  	v10 =	vld.idx.msk [tilespmem:v40+s2+$0x0], $0xffff  }
0xa6: {  	v11 =	vld.idx.msk [tilespmem:v41+s2+$0x0], $0xffff  }
0xa7: {  	v15 =	vld.idx.msk [tilespmem:v43+s2+$0x0], $0xffff  }
0xa8: {  	v17 =	vld.idx.msk [tilespmem:v44+s2+$0x0], $0xffff  }
0xa9: {  	[tilespmem:v46+s14+$0x0] =	vst.idx.add.f32.msk $0xffff, v3  }
0xaa: {  	[tilespmem:v47+s14+$0x0] =	vst.idx.add.f32.msk $0xffff, v4  }
0xab: {  	[tilespmem:v20+s14+$0x0] =	vst.idx.add.f32.msk $0xffff, v5  }
0xac: {  	[tilespmem:v50+s14+$0x0] =	vst.idx.add.f32.msk $0xffff, v10  }
0xad: {  	[tilespmem:v51+s14+$0x0] =	vst.idx.add.f32.msk $0xffff, v11  }
0xae: {  	[tilespmem:v23+s14+$0x0] =	vst.idx.add.f32.msk $0xffff, v15  }
0xaf: {  	[tilespmem:v52+s14+$0x0] =	vst.idx.add.f32.msk $0xffff, v17  }
0xb0: {  	v5 =	vld.idx.msk [tilespmem:v14+s2+$0x0], $0xffff  }
0xb1: {  	v6 =	vld.idx.msk [tilespmem:v6+s2+$0x0], $0xffff  }
0xb2: {  	v7 =	vld.idx.msk [tilespmem:v7+s2+$0x0], $0xffff  }
0xb3: {  	v8 =	vld.idx.msk [tilespmem:v8+s2+$0x0], $0xffff  }
0xb4: {  	v9 =	vld.idx.msk [tilespmem:v9+s2+$0x0], $0xffff  }
0xb5: {  	v4 =	vld.idx.msk [tilespmem:v26+s2+$0x0], $0xffff  }
0xb6: {  	v3 =	vld.idx.msk [tilespmem:v13+s2+$0x0], $0xffff  }
.Ltmp2:
0xb7: {  	[tilespmem:v24+s14+$0x0] =	vst.idx.add.f32.msk $0xffff, v5;
	(pc) =	sbr.rel @p0 .LBB2_6-.Ltmp2, $4  }
0xb8: {  	[tilespmem:v12+s14+$0x0] =	vst.idx.add.f32.msk $0xffff, v6  }
0xb9: {  	[tilespmem:v16+s14+$0x0] =	vst.idx.add.f32.msk $0xffff, v7  }
0xba: {  	[tilespmem:v18+s14+$0x0] =	vst.idx.add.f32.msk $0xffff, v8  }
0xbb: {  	s20 =	sadd.s32 $0x80, s20;
	[tilespmem:v22+s14+$0x0] =	vst.idx.add.f32.msk $0xffff, v9  }
0xbc: {  	_ =	sdelay $0x1  }
0xbd: {  	p0 =	seq.s32 s17, $0x13  }
0xbe: {  	s18 =	sadd.s32 @!p0 s18, s6  }
0xbf: {  	[tilespmem:v2+s14+$0x0] =	vst.idx.add.f32.msk $0xffff, v4;
	s18 =	sshrl.u32 @!p0 s18, $0x3  }
0xc0: {  	[tilespmem:v1+s14+$0x0] =	vst.idx.add.f32.msk $0xffff, v3;
	s19 =	simm.s32 @!p0 $0x0;
	s20 =	simm.s32 @!p0 $0x13880;
	s18 =	sadd.s32 @!p0 s3, s18  }
0xc1: {  	[tilespmem:s20], [sflag:$0x1] =	stream.linear.gather @!p0 [hbm4b:s18+s19], $0x3E80, $0x38;
	[tilespmem:$0x1B580] =	vst v63  }
0xc2: {  	_ =	swait.ge [sflag:s15], $0x3E80  }
0xc3: {  	[sflag:s15] =	ssyncset.done $0x0  }
0xc4: {  	s31 =	simm.s32 $0x17740;
	[sflag:s15] =	ssyncadd.s32 $0xFFFFC180  }
0xc5: {  	v1 =	vld [tilespmem:s31+$0x30]  }
0xc6: {  	v2 =	vld [tilespmem:s31+$0xFFFFFFD0]  }
0xc7: {  	v3 =	vld [tilespmem:s31+$0xFFFFFFE0]  }
0xc8: {  	v4 =	vld [tilespmem:s31+$0xFFFFFFF0]  }
0xc9: {  	v5 =	vld [tilespmem:s31+$0x0]  }
0xca: {  	v6 =	vld [tilespmem:s31+$0x10];
	v7 =	vand.u32 $0xFFFF, v1  }
0xcb: {  	v10 =	vld [tilespmem:s31+$0xFFFFFFC0];
	v8 =	vand.u32 $0xFFFF, v2  }
0xcc: {  	v12 =	vld [tilespmem:s31+$0x20];
	v9 =	vand.u32 $0xFFFF, v3  }
0xcd: {  	v11 =	vand.u32 $0xFFFF, v4  }
0xce: {  	v13 =	vand.u32 $0xFFFF, v5  }
0xcf: {  	v14 =	vand.u32 $0xFFFF, v6;
	v15 =	vld.idx.msk [tilespmem:v7+s2+$0x0], $0xffff  }
0xd0: {  	v19 =	vand.u32 $0xFFFF, v10;
	v16 =	vld.idx.msk [tilespmem:v8+s2+$0x0], $0xffff  }
0xd1: {  	v21 =	vand.u32 $0xFFFF, v12;
	v17 =	vld.idx.msk [tilespmem:v9+s2+$0x0], $0xffff  }
0xd2: {  	v1 =	vshrl.u32 v1, $0x10;
	v20 =	vld.idx.msk [tilespmem:v11+s2+$0x0], $0xffff  }
0xd3: {  	v2 =	vshrl.u32 v2, $0x10;
	v22 =	vld.idx.msk [tilespmem:v13+s2+$0x0], $0xffff  }
0xd4: {  	v3 =	vshrl.u32 v3, $0x10;
	v23 =	vld.idx.msk [tilespmem:v14+s2+$0x0], $0xffff  }
0xd5: {  	v4 =	vshrl.u32 v4, $0x10;
	v63 =	vld.idx.msk [tilespmem:v19+s2+$0x0], $0xffff  }
0xd6: {  	v10 =	vshrl.u32 v10, $0x10;
	v25 =	vld.idx.msk [tilespmem:v21+s2+$0x0], $0xffff  }
0xd7: {  	v5 =	vshrl.u32 v5, $0x10;
	[tilespmem:v1+s14+$0x0] =	vst.idx.add.f32.msk $0xffff, v15  }
0xd8: {  	v6 =	vshrl.u32 v6, $0x10;
	[tilespmem:v2+s14+$0x0] =	vst.idx.add.f32.msk $0xffff, v16  }
0xd9: {  	v12 =	vshrl.u32 v12, $0x10;
	[tilespmem:v3+s14+$0x0] =	vst.idx.add.f32.msk $0xffff, v17  }
0xda: {  	v18 =	vadd.s32 $0x2710, v7;
	[tilespmem:v4+s14+$0x0] =	vst.idx.add.f32.msk $0xffff, v20  }
0xdb: {  	v31 =	vadd.s32 $0x2710, v8;
	[tilespmem:v10+s14+$0x0] =	vst.idx.add.f32.msk $0xffff, v63  }
0xdc: {  	v32 =	vadd.s32 $0x2710, v9;
	[tilespmem:v5+s14+$0x0] =	vst.idx.add.f32.msk $0xffff, v22  }
0xdd: {  	v33 =	vadd.s32 $0x2710, v11;
	[tilespmem:v6+s14+$0x0] =	vst.idx.add.f32.msk $0xffff, v23  }
0xde: {  	v34 =	vadd.s32 $0x2710, v13;
	[tilespmem:v12+s14+$0x0] =	vst.idx.add.f32.msk $0xffff, v25  }
0xdf: {  	v35 =	vadd.s32 $0x2710, v14;
	v15 =	vld.idx.msk [tilespmem:v18+s2+$0x0], $0xffff  }
0xe0: {  	v24 =	vadd.s32 $0x2710, v1;
	v36 =	vld.idx.msk [tilespmem:v31+s2+$0x0], $0xffff  }
0xe1: {  	v28 =	vadd.s32 $0x2710, v19;
	v20 =	vld.idx.msk [tilespmem:v32+s2+$0x0], $0xffff  }
0xe2: {  	v26 =	vadd.s32 $0x4E20, v7;
	v22 =	vld.idx.msk [tilespmem:v33+s2+$0x0], $0xffff  }
0xe3: {  	v39 =	vadd.s32 $0x2710, v2;
	v23 =	vld.idx.msk [tilespmem:v34+s2+$0x0], $0xffff  }
0xe4: {  	v40 =	vadd.s32 $0x2710, v3;
	v16 =	vld.idx.msk [tilespmem:v35+s2+$0x0], $0xffff  }
0xe5: {  	v27 =	vadd.s32 $0x2710, v4;
	[tilespmem:v24+s14+$0x0] =	vst.idx.add.f32.msk $0xffff, v15  }
0xe6: {  	v41 =	vadd.s32 $0x2710, v6;
	v15 =	vld.idx.msk [tilespmem:v28+s2+$0x0], $0xffff  }
0xe7: {  	v30 =	vadd.s32 $0x4E20, v1;
	v29 =	vld.idx.msk [tilespmem:v26+s2+$0x0], $0xffff  }
0xe8: {  	v7 =	vadd.s32 $0x7530, v7;
	[tilespmem:v39+s14+$0x0] =	vst.idx.add.f32.msk $0xffff, v36  }
0xe9: {  	v44 =	vadd.s32 $0x4E20, v8;
	[tilespmem:v40+s14+$0x0] =	vst.idx.add.f32.msk $0xffff, v20  }
0xea: {  	v45 =	vadd.s32 $0x4E20, v9;
	[tilespmem:v27+s14+$0x0] =	vst.idx.add.f32.msk $0xffff, v22  }
0xeb: {  	v38 =	vadd.s32 $0x2710, v10;
	[tilespmem:v41+s14+$0x0] =	vst.idx.add.f32.msk $0xffff, v16  }
0xec: {  	v43 =	vadd.s32 $0x4E20, v19;
	[tilespmem:v30+s14+$0x0] =	vst.idx.add.f32.msk $0xffff, v29  }
0xed: {  	v1 =	vadd.s32 $0x7530, v1;
	v7 =	vld.idx.msk [tilespmem:v7+s2+$0x0], $0xffff  }
0xee: {  	v37 =	vadd.s32 $0x2710, v21;
	v49 =	vld.idx.msk [tilespmem:v44+s2+$0x0], $0xffff  }
0xef: {  	v51 =	vadd.s32 $0x4E20, v2;
	v22 =	vld.idx.msk [tilespmem:v45+s2+$0x0], $0xffff  }
0xf0: {  	v52 =	vadd.s32 $0x4E20, v3;
	[tilespmem:v38+s14+$0x0] =	vst.idx.add.f32.msk $0xffff, v15  }
0xf1: {  	v8 =	vadd.s32 $0x7530, v8;
	v47 =	vld.idx.msk [tilespmem:v43+s2+$0x0], $0xffff  }
0xf2: {  	[tilespmem:v1+s14+$0x0] =	vst.idx.add.f32.msk $0xffff, v7;
	v1 =	vadd.s32 $0x2710, v5  }
0xf3: {  	v42 =	vadd.s32 $0x2710, v12;
	v7 =	vld.idx.msk [tilespmem:v37+s2+$0x0], $0xffff  }
0xf4: {  	v50 =	vadd.s32 $0x4E20, v10;
	[tilespmem:v51+s14+$0x0] =	vst.idx.add.f32.msk $0xffff, v49  }
0xf5: {  	v57 =	vadd.s32 $0x7530, v19;
	[tilespmem:v52+s14+$0x0] =	vst.idx.add.f32.msk $0xffff, v22  }
0xf6: {  	v2 =	vadd.s32 $0x7530, v2;
	v8 =	vld.idx.msk [tilespmem:v8+s2+$0x0], $0xffff  }
0xf7: {  	[tilespmem:v1+s14+$0x0] =	vst.idx.add.f32.msk $0xffff, v23;
	v1 =	vadd.s32 $0x4E20, v11  }
0xf8: {  	[tilespmem:v42+s14+$0x0] =	vst.idx.add.f32.msk $0xffff, v7;
	v7 =	vadd.s32 $0x4E20, v14  }
0xf9: {  	v46 =	vadd.s32 $0x4E20, v13;
	[tilespmem:v50+s14+$0x0] =	vst.idx.add.f32.msk $0xffff, v47  }
0xfa: {  	v48 =	vadd.s32 $0x4E20, v21;
	v60 =	vld.idx.msk [tilespmem:v57+s2+$0x0], $0xffff  }
0xfb: {  	v10 =	vadd.s32 $0x7530, v10;
	[tilespmem:v2+s14+$0x0] =	vst.idx.add.f32.msk $0xffff, v8  }
0xfc: {  	v53 =	vadd.s32 $0x4E20, v4;
	v1 =	vld.idx.msk [tilespmem:v1+s2+$0x0], $0xffff  }
0xfd: {  	v55 =	vadd.s32 $0x4E20, v6;
	v7 =	vld.idx.msk [tilespmem:v7+s2+$0x0], $0xffff  }
0xfe: {  	v54 =	vadd.s32 $0x4E20, v5;
	v16 =	vld.idx.msk [tilespmem:v46+s2+$0x0], $0xffff  }
0xff: {  	v56 =	vadd.s32 $0x4E20, v12;
	v17 =	vld.idx.msk [tilespmem:v48+s2+$0x0], $0xffff  }
0x100: {  	v58 =	vadd.s32 $0x7530, v11;
	[tilespmem:v10+s14+$0x0] =	vst.idx.add.f32.msk $0xffff, v60  }
0x101: {  	[tilespmem:v53+s14+$0x0] =	vst.idx.add.f32.msk $0xffff, v1;
	v1 =	vadd.s32 $0x7530, v9  }
0x102: {  	[tilespmem:v55+s14+$0x0] =	vst.idx.add.f32.msk $0xffff, v7;
	v7 =	vadd.s32 $0x7530, v13  }
0x103: {  	v61 =	vadd.s32 $0x7530, v21;
	[tilespmem:v54+s14+$0x0] =	vst.idx.add.f32.msk $0xffff, v16  }
0x104: {  	v59 =	vadd.s32 $0x7530, v14;
	[tilespmem:v56+s14+$0x0] =	vst.idx.add.f32.msk $0xffff, v17  }
0x105: {  	v63 =	vadd.s32 $0x7530, v4;
	v9 =	vld.idx.msk [tilespmem:v58+s2+$0x0], $0xffff  }
0x106: {  	v62 =	vadd.s32 $0x7530, v3;
	v1 =	vld.idx.msk [tilespmem:v1+s2+$0x0], $0xffff  }
0x107: {  	v5 =	vadd.s32 $0x7530, v5;
	v7 =	vld.idx.msk [tilespmem:v7+s2+$0x0], $0xffff  }
0x108: {  	v3 =	vld.idx.msk [tilespmem:v61+s2+$0x0], $0xffff  }
0x109: {  	v4 =	vld.idx.msk [tilespmem:v59+s2+$0x0], $0xffff  }
0x10a: {  	[tilespmem:v63+s14+$0x0] =	vst.idx.add.f32.msk $0xffff, v9  }
0x10b: {  	[tilespmem:v62+s14+$0x0] =	vst.idx.add.f32.msk $0xffff, v1  }
0x10c: {  	s18 =	simm.s32 $0x0;
	s19 =	simm.s32 $0x177C0;
	v2 =	vadd.s32 $0x7530, v6;
	v1 =	vadd.s32 $0x7530, v12;
	[tilespmem:v5+s14+$0x0] =	vst.idx.add.f32.msk $0xffff, v7  }
.LBB2_8:
0x10d: {  	v5 =	vld [tilespmem:s19+$0x30];
	s18 =	sadd.s32 $0x8, s18  }
0x10e: {  	v6 =	vld [tilespmem:s19+$0xFFFFFFD0];
	p0 =	slt.u32 s18, $0x3E0  }
0x10f: {  	v7 =	vld [tilespmem:s19+$0xFFFFFFE0]  }
0x110: {  	v8 =	vld [tilespmem:s19+$0xFFFFFFF0]  }
0x111: {  	v9 =	vld [tilespmem:s19+$0x0]  }
0x112: {  	v10 =	vld [tilespmem:s19+$0x10];
	v11 =	vand.u32 $0xFFFF, v5  }
0x113: {  	v12 =	vshrl.u32 v6, $0x10;
	v6 =	vand.u32 $0xFFFF, v6;
	v13 =	vld [tilespmem:s19+$0x20]  }
0x114: {  	v14 =	vld [tilespmem:s19+$0xFFFFFFC0];
	v15 =	vadd.s32 $0x2710, v6;
	v16 =	vshrl.u32 v7, $0x10;
	v7 =	vand.u32 $0xFFFF, v7  }
0x115: {  	v17 =	vadd.s32 $0x2710, v7;
	v18 =	vshrl.u32 v8, $0x10;
	v8 =	vand.u32 $0xFFFF, v8;
	[tilespmem:v2+s14+$0x0] =	vst.idx.add.f32.msk $0xffff, v4  }
0x116: {  	v4 =	vadd.s32 $0x2710, v8;
	v2 =	vshrl.u32 v9, $0x10;
	v9 =	vand.u32 $0xFFFF, v9;
	[tilespmem:v1+s14+$0x0] =	vst.idx.add.f32.msk $0xffff, v3  }
0x117: {  	v3 =	vadd.s32 $0x2710, v9;
	v19 =	vshrl.u32 v10, $0x10;
	v1 =	vand.u32 $0xFFFF, v10;
	v10 =	vld.idx.msk [tilespmem:v11+s2+$0x0], $0xffff  }
0x118: {  	v5 =	vshrl.u32 v5, $0x10;
	v20 =	vld.idx.msk [tilespmem:v6+s2+$0x0], $0xffff;
	v21 =	vshrl.u32 v13, $0x10;
	v13 =	vand.u32 $0xFFFF, v13  }
0x119: {  	v24 =	vadd.s32 $0x2710, v11;
	v22 =	vshrl.u32 v14, $0x10;
	v14 =	vand.u32 $0xFFFF, v14;
	v23 =	vld.idx.msk [tilespmem:v7+s2+$0x0], $0xffff  }
0x11a: {  	v27 =	vadd.s32 $0x2710, v1;
	v28 =	vadd.s32 $0x2710, v13;
	v25 =	vadd.s32 $0x2710, v14;
	v26 =	vld.idx.msk [tilespmem:v8+s2+$0x0], $0xffff  }
0x11b: {  	v30 =	vadd.s32 $0x2710, v12;
	v31 =	vadd.s32 $0x2710, v16;
	v29 =	vadd.s32 $0x2710, v22;
	v32 =	vld.idx.msk [tilespmem:v9+s2+$0x0], $0xffff  }
0x11c: {  	v33 =	vadd.s32 $0x2710, v18;
	v34 =	vadd.s32 $0x2710, v2;
	v36 =	vadd.s32 $0x2710, v19;
	v35 =	vld.idx.msk [tilespmem:v1+s2+$0x0], $0xffff  }
0x11d: {  	v38 =	vadd.s32 $0x4E20, v6;
	v39 =	vadd.s32 $0x2710, v21;
	v37 =	vadd.s32 $0x4E20, v14;
	[tilespmem:v5+s14+$0x0] =	vst.idx.add.f32.msk $0xffff, v10  }
0x11e: {  	v40 =	vadd.s32 $0x4E20, v8;
	v41 =	vadd.s32 $0x4E20, v9;
	v10 =	vadd.s32 $0x4E20, v7;
	v24 =	vld.idx.msk [tilespmem:v24+s2+$0x0], $0xffff  }
0x11f: {  	v45 =	vadd.s32 $0x2710, v5;
	v43 =	vadd.s32 $0x4E20, v1;
	v44 =	vadd.s32 $0x4E20, v13;
	v42 =	vld.idx.msk [tilespmem:v14+s2+$0x0], $0xffff  }
0x120: {  	v49 =	vadd.s32 $0x4E20, v11;
	v47 =	vadd.s32 $0x4E20, v12;
	v46 =	vadd.s32 $0x4E20, v22;
	v48 =	vld.idx.msk [tilespmem:v13+s2+$0x0], $0xffff  }
0x121: {  	v50 =	vadd.s32 $0x4E20, v18;
	v51 =	vadd.s32 $0x4E20, v2;
	[tilespmem:v12+s14+$0x0] =	vst.idx.add.f32.msk $0xffff, v20;
	v20 =	vadd.s32 $0x4E20, v16  }
0x122: {  	v52 =	vadd.s32 $0x4E20, v21;
	v14 =	vadd.s32 $0x7530, v14;
	[tilespmem:v16+s14+$0x0] =	vst.idx.add.f32.msk $0xffff, v23;
	v23 =	vadd.s32 $0x4E20, v19  }
0x123: {  	v6 =	vadd.s32 $0x7530, v6;
	v8 =	vadd.s32 $0x7530, v8;
	v7 =	vadd.s32 $0x7530, v7;
	[tilespmem:v18+s14+$0x0] =	vst.idx.add.f32.msk $0xffff, v26  }
0x124: {  	v9 =	vadd.s32 $0x7530, v9;
	v13 =	vadd.s32 $0x7530, v13;
	v26 =	vadd.s32 $0x7530, v1;
	[tilespmem:v45+s14+$0x0] =	vst.idx.add.f32.msk $0xffff, v24  }
0x125: {  	v12 =	vadd.s32 $0x7530, v12;
	v16 =	vadd.s32 $0x7530, v16;
	v24 =	vadd.s32 $0x7530, v22;
	v45 =	vld.idx.msk [tilespmem:v49+s2+$0x0], $0xffff  }
0x126: {  	v18 =	vadd.s32 $0x7530, v18;
	[tilespmem:v22+s14+$0x0] =	vst.idx.add.f32.msk $0xffff, v42;
	v22 =	vadd.s32 $0x7530, v2;
	v42 =	vadd.s32 $0x4E20, v5  }
0x127: {  	v11 =	vadd.s32 $0x7530, v11;
	v1 =	vadd.s32 $0x7530, v21;
	[tilespmem:v2+s14+$0x0] =	vst.idx.add.f32.msk $0xffff, v32;
	v2 =	vadd.s32 $0x7530, v19  }
0x128: {  	[tilespmem:v19+s14+$0x0] =	vst.idx.add.f32.msk $0xffff, v35  }
0x129: {  	[tilespmem:v21+s14+$0x0] =	vst.idx.add.f32.msk $0xffff, v48  }
0x12a: {  	v19 =	vld.idx.msk [tilespmem:v25+s2+$0x0], $0xffff  }
0x12b: {  	[tilespmem:v42+s14+$0x0] =	vst.idx.add.f32.msk $0xffff, v45  }
0x12c: {  	v11 =	vld.idx.msk [tilespmem:v11+s2+$0x0], $0xffff  }
0x12d: {  	v5 =	vadd.s32 $0x7530, v5;
	v15 =	vld.idx.msk [tilespmem:v15+s2+$0x0], $0xffff  }
0x12e: {  	v17 =	vld.idx.msk [tilespmem:v17+s2+$0x0], $0xffff  }
0x12f: {  	v4 =	vld.idx.msk [tilespmem:v4+s2+$0x0], $0xffff  }
0x130: {  	v3 =	vld.idx.msk [tilespmem:v3+s2+$0x0], $0xffff  }
0x131: {  	v21 =	vld.idx.msk [tilespmem:v27+s2+$0x0], $0xffff  }
0x132: {  	[tilespmem:v5+s14+$0x0] =	vst.idx.add.f32.msk $0xffff, v11  }
0x133: {  	v5 =	vld.idx.msk [tilespmem:v28+s2+$0x0], $0xffff  }
0x134: {  	[tilespmem:v29+s14+$0x0] =	vst.idx.add.f32.msk $0xffff, v19  }
0x135: {  	[tilespmem:v30+s14+$0x0] =	vst.idx.add.f32.msk $0xffff, v15  }
0x136: {  	[tilespmem:v31+s14+$0x0] =	vst.idx.add.f32.msk $0xffff, v17  }
0x137: {  	[tilespmem:v33+s14+$0x0] =	vst.idx.add.f32.msk $0xffff, v4  }
0x138: {  	[tilespmem:v34+s14+$0x0] =	vst.idx.add.f32.msk $0xffff, v3  }
0x139: {  	[tilespmem:v36+s14+$0x0] =	vst.idx.add.f32.msk $0xffff, v21  }
0x13a: {  	[tilespmem:v39+s14+$0x0] =	vst.idx.add.f32.msk $0xffff, v5  }
0x13b: {  	v3 =	vld.idx.msk [tilespmem:v37+s2+$0x0], $0xffff  }
0x13c: {  	v4 =	vld.idx.msk [tilespmem:v38+s2+$0x0], $0xffff  }
0x13d: {  	v5 =	vld.idx.msk [tilespmem:v10+s2+$0x0], $0xffff  }
0x13e: {  	v10 =	vld.idx.msk [tilespmem:v40+s2+$0x0], $0xffff  }
0x13f: {  	v11 =	vld.idx.msk [tilespmem:v41+s2+$0x0], $0xffff  }
0x140: {  	v15 =	vld.idx.msk [tilespmem:v43+s2+$0x0], $0xffff  }
0x141: {  	v17 =	vld.idx.msk [tilespmem:v44+s2+$0x0], $0xffff  }
0x142: {  	[tilespmem:v46+s14+$0x0] =	vst.idx.add.f32.msk $0xffff, v3  }
0x143: {  	[tilespmem:v47+s14+$0x0] =	vst.idx.add.f32.msk $0xffff, v4  }
0x144: {  	[tilespmem:v20+s14+$0x0] =	vst.idx.add.f32.msk $0xffff, v5  }
0x145: {  	[tilespmem:v50+s14+$0x0] =	vst.idx.add.f32.msk $0xffff, v10  }
0x146: {  	[tilespmem:v51+s14+$0x0] =	vst.idx.add.f32.msk $0xffff, v11  }
0x147: {  	[tilespmem:v23+s14+$0x0] =	vst.idx.add.f32.msk $0xffff, v15  }
0x148: {  	[tilespmem:v52+s14+$0x0] =	vst.idx.add.f32.msk $0xffff, v17  }
0x149: {  	v5 =	vld.idx.msk [tilespmem:v14+s2+$0x0], $0xffff  }
0x14a: {  	v6 =	vld.idx.msk [tilespmem:v6+s2+$0x0], $0xffff  }
0x14b: {  	v7 =	vld.idx.msk [tilespmem:v7+s2+$0x0], $0xffff  }
0x14c: {  	v8 =	vld.idx.msk [tilespmem:v8+s2+$0x0], $0xffff  }
0x14d: {  	v9 =	vld.idx.msk [tilespmem:v9+s2+$0x0], $0xffff  }
0x14e: {  	v4 =	vld.idx.msk [tilespmem:v26+s2+$0x0], $0xffff  }
0x14f: {  	v3 =	vld.idx.msk [tilespmem:v13+s2+$0x0], $0xffff  }
.Ltmp3:
0x150: {  	[tilespmem:v24+s14+$0x0] =	vst.idx.add.f32.msk $0xffff, v5;
	(pc) =	sbr.rel @p0 .LBB2_8-.Ltmp3, $4  }
0x151: {  	[tilespmem:v12+s14+$0x0] =	vst.idx.add.f32.msk $0xffff, v6  }
0x152: {  	[tilespmem:v16+s14+$0x0] =	vst.idx.add.f32.msk $0xffff, v7  }
0x153: {  	[tilespmem:v18+s14+$0x0] =	vst.idx.add.f32.msk $0xffff, v8  }
0x154: {  	s19 =	sadd.s32 $0x80, s19;
	[tilespmem:v22+s14+$0x0] =	vst.idx.add.f32.msk $0xffff, v9  }
0x155: {  	s17 =	sadd.s32 $0x1, s17  }
0x156: {  	p0 =	sne.s32 s17, $0x14  }
.Ltmp4:
0x157: {  	_ = 	snop;
	(pc) =	sbr.rel @p0 .LBB2_5-.Ltmp4, $3  }
0x158: {  	_ =	sdelay $0x1  }
0x159: {  	[tilespmem:v2+s14+$0x0] =	vst.idx.add.f32.msk $0xffff, v4  }
0x15a: {  	[tilespmem:v1+s14+$0x0] =	vst.idx.add.f32.msk $0xffff, v3  }
0x15b: {  	s16 =	sadd.s32 $0x1, s16  }
0x15c: {  	p0 =	sne.s32 s16, s9  }
.Ltmp5:
0x15d: {  	_ = 	snop;
	(pc) =	sbr.rel @p0 .LBB2_2-.Ltmp5, $4  }
0x15e: {  	[hbm4b:s7+s2] =	stream.linear.scatter [tilespmem:s14], [sflag:$0x3], $0x9C40, $0x38;
	[tilespmem:$0x1B580] =	vst v63  }
0x15f: {  	_ =	swait.ge [sflag:s10], $0x9C40  }
0x160: {  	[sflag:s10] =	ssyncset.done $0x0  }
0x161: {  	[sflag:s10] =	ssyncadd.s32 $0xFFFF63C0  }
.LBB2_11:
0x162: {  	_ =	sfence.sel $0x180000  }
0x163: {  	[bflag:$0x0] =	sbarrier.arrive $0xFFFF  }
0x164: {  	p0 =	sne.s32 s1, $0x0;
	_ =	strace $0x9000004A  }
0x165: {  	s0 =	sadd.s32 @!p0 $0x100000, s0;
	[bflag:$0x2] =	sbarrier.arrive $0xFFFF  }
0x166: {  	[sflag:s0] =	ssyncadd.tile.s32 @!p0 $0x1;
	_ =	shalt  }
.Lfunc_end2:
_tile_overlayer_lowered:
.L_overlay_start_2:
0x167: {  	(tag) =	ssettag $0x2  }
0x168: {  	s0 =	rddreg [dreg:$0x0];
	s2 =	stileid.u32  }
0x169: {  	s1 =	rddreg [dreg:$0x1];
	p0 =	sne.s32 s2, $0x0  }
0x16a: {  	s3 =	rddreg [dreg:$0x2];
	[bflag:$0x3] =	sbarrier.arrive $0xFFFF;
	s2 =	simm.s32 @!p0 $0x1C03  }
0x16b: {  	[timem:s3], [sflag:s2] =	dma.local @!p0 [hbm:s0], s1  }
0x16c: {  	s0 =	simm.s32 @!p0 $0x3  }
0x16d: {  	_ =	swait.ge @!p0 [sflag:s0], s1  }
0x16e: {  	s1 =	ssub.s32 @!p0 $0x0, s1;
	[sflag:s0] =	ssyncset.done @!p0 $0x0  }
0x16f: {  	[sflag:s0] =	ssyncadd.s32 @!p0 s1  }
0x170: {  	[bflag:$0x3] =	sbarrier.arrive $0xFFFF  }
0x171: {  	_ =	shalt  }

// kernel: kernel.7.cloned.1.call-start
scs
__scs_entry_jumppad:
0x0: {  	(pc) =	sbr.rel $0x88, $3  }
0x1: {  	(tag) =	ssettag $0x0;
	lr =	simm.s32 $0x1  }
0x2: {  	[smem:$0x3F86] =	sst lr;
	_ =	strace $0xD0000000  }
0x3: {  	_ = 	snop  }
0x4: {  	_ = 	snop  }
0x5: {  	_ = 	snop  }
0x6: {  	_ = 	snop  }
0x7: {  	_ = 	snop  }
__scs_overlays_trampoline_lowered:
0x8: {  	[smem:$0x3F95] =	sst s0  }
0x9: {  	[smem:$0x3F96] =	sst s1  }
0xa: {  	[smem:$0x3F97] =	sst s2  }
0xb: {  	[smem:$0x3F98] =	sst s3  }
0xc: {  	[smem:$0x3F99] =	sst s4  }
0xd: {  	[smem:$0x3F9A] =	sst s5  }
0xe: {  	[smem:$0x3F9B] =	sst s6  }
0xf: {  	[smem:$0x3F9C] =	sst s7  }
0x10: {  	[smem:$0x3F9D] =	sst s8  }
0x11: {  	[smem:$0x3F9E] =	sst s9;
	s0 =	simm.s32 @!p0 $0x0  }
0x12: {  	s1 =	sld [smem:$0x3F84];
	s0 =	simm.s32 @p0 $0x1  }
0x13: {  	[smem:$0x3F9F] =	sst s0;
	s0 =	simm.s32 @!p1 $0x0  }
0x14: {  	s2 =	sld [smem:$0x3F83];
	s0 =	simm.s32 @p1 $0x1  }
0x15: {  	[smem:$0x3FA0] =	sst s0;
	s0 =	simm.s32 @!p2 $0x0  }
0x16: {  	s3 =	sld [smem:$0x3FDB];
	s0 =	simm.s32 @p2 $0x1  }
0x17: {  	s4 =	simm.s32 $0x1BF5;
	[smem:$0x3FA2] =	sst s0  }
0x18: {  	s0 =	sld [smem:$0x3F85];
	_ =	swait.ge [sflag:s4], $0x0  }
0x19: {  	s7 =	sld [smem:$0x3F86]  }
0x1a: {  	s8 =	sadd.s32 $0xFFFFE003, lr  }
0x1b: {  	s9 =	sadd.s32 $0xFFFFFEF7, lr;
	s5 =	simm.s32 $0xFFFFFFFF;
	p2 =	slt.u32 s8, $0xFFFFF086  }
0x1c: {  	p1 =	slt.u32 s9, $0xF7A;
	s5 =	simm.s32 @!p2 $0x0  }
0x1d: {  	s5 =	simm.s32 @p1 $0x1;
	p0 =	seq.s32 s7, s2  }
0x1e: {  	s7 =	smul.u32 @!p0 $0xF7A, s2;
	p2 =	seq.s32 @!p0 s5, $0x0  }
0x1f: {  	s9 =	smul.u32 $0xF7A, s1;
	s8 =	simm.s32 @!p0 $0x1BF5;
	p2 =	por !p2, p0  }
0x20: {  	[sflag:s8] =	ssyncset.s32 @!p0 $0xFFFFF086;
	s6 =	sadd.s32 @!p0 s3, s7;
	s7 =	simm.s32 @!p0 $0x108  }
0x21: {  	s3 =	sadd.s32 s3, s9;
	s6 =	sadd.s32 @!p0 $0x88, s6;
	s7 =	simm.s32 @p2 $0x1082  }
0x22: {  	[simem:s7], [sflag:s8] =	dma.local @!p0 [hbm:s6], $0xF7A  }
0x23: {  	s9 =	sor.u32 $0xD0000000, s2;
	s6 =	simm.s32 $0x108;
	_ =	swait.ge @!p0 [sflag:s8], $0x0  }
0x24: {  	s3 =	sadd.s32 $0x88, s3;
	s6 =	simm.s32 @!p1 $0x1082;
	[sflag:s4] =	ssyncset.s32 $0xFFFFF086  }
0x25: {  	[simem:s6], [sflag:s4] =	dma.local [hbm:s3], $0xF7A  }
0x26: {  	[smem:$0x3F86] =	sst s1;
	(tag) =	ssettag s2;
	_ =	strace s9  }
0x27: {  	s1 =	sld [smem:$0x3F96]  }
0x28: {  	s2 =	sld [smem:$0x3F97]  }
0x29: {  	s4 =	sld [smem:$0x3F99]  }
0x2a: {  	p0 =	seq.s32 s5, $0x0;
	s5 =	sld [smem:$0x3F9A]  }
0x2b: {  	s6 =	sld [smem:$0x3F9B]  }
0x2c: {  	s7 =	sld [smem:$0x3F9C]  }
0x2d: {  	s3 =	simm.s32 $0x108;
	s8 =	sld [smem:$0x3F9D]  }
0x2e: {  	s3 =	simm.s32 @!p0 $0x1082;
	s9 =	sld [smem:$0x3F9E]  }
0x2f: {  	lr =	sadd.s32 s0, s3;
	s0 =	sld [smem:$0x3F95]  }
0x30: {  	s3 =	sld [smem:$0x3F98]  }
0x31: {  	[smem:$0x3FA1] =	sst s10  }
0x32: {  	s10 =	sld [smem:$0x3F9F];
	_ =	sdelay $0x3  }
0x33: {  	p0 =	seq.s32 s10, $0x1;
	s10 =	sld [smem:$0x3FA1];
	_ =	sdelay $0x3  }
0x34: {  	[smem:$0x3FA1] =	sst s10  }
0x35: {  	s10 =	sld [smem:$0x3FA0];
	_ =	sdelay $0x3  }
0x36: {  	p1 =	seq.s32 s10, $0x1;
	s10 =	sld [smem:$0x3FA1];
	_ =	sdelay $0x3  }
0x37: {  	[smem:$0x3FA1] =	sst s10  }
0x38: {  	s10 =	sld [smem:$0x3FA2]  }
0x39: {  	_ = 	snop;
	(pc) =	sbr.ind lr, $3  }
0x3a: {  	_ = 	snop  }
0x3b: {  	_ = 	snop  }
0x3c: {  	p2 =	seq.s32 s10, $0x1;
	s10 =	sld [smem:$0x3FA1]  }
0x3d: {  	_ =	shalt  }
0x3e: {  	_ =	shalt  }
0x3f: {  	_ =	shalt  }
0x40: {  	_ =	shalt  }
0x41: {  	_ =	shalt  }
0x42: {  	_ =	shalt  }
0x43: {  	_ =	shalt  }
0x44: {  	_ =	shalt  }
0x45: {  	_ =	shalt  }
0x46: {  	_ =	shalt  }
0x47: {  	_ =	shalt  }
0x48: {  	_ =	shalt  }
0x49: {  	_ =	shalt  }
0x4a: {  	_ =	shalt  }
0x4b: {  	_ =	shalt  }
0x4c: {  	_ =	shalt  }
0x4d: {  	_ =	shalt  }
0x4e: {  	_ =	shalt  }
0x4f: {  	_ =	shalt  }
0x50: {  	_ =	shalt  }
0x51: {  	_ =	shalt  }
0x52: {  	_ =	shalt  }
0x53: {  	_ =	shalt  }
0x54: {  	_ =	shalt  }
0x55: {  	_ =	shalt  }
0x56: {  	_ =	shalt  }
0x57: {  	_ =	shalt  }
0x58: {  	_ =	shalt  }
0x59: {  	_ =	shalt  }
0x5a: {  	_ =	shalt  }
0x5b: {  	_ =	shalt  }
0x5c: {  	_ =	shalt  }
0x5d: {  	_ =	shalt  }
0x5e: {  	_ =	shalt  }
0x5f: {  	_ =	shalt  }
0x60: {  	_ =	shalt  }
0x61: {  	_ =	shalt  }
0x62: {  	_ =	shalt  }
0x63: {  	_ =	shalt  }
0x64: {  	_ =	shalt  }
0x65: {  	_ =	shalt  }
0x66: {  	_ =	shalt  }
0x67: {  	_ =	shalt  }
0x68: {  	_ =	shalt  }
0x69: {  	_ =	shalt  }
0x6a: {  	_ =	shalt  }
0x6b: {  	_ =	shalt  }
0x6c: {  	_ =	shalt  }
0x6d: {  	_ =	shalt  }
0x6e: {  	_ =	shalt  }
0x6f: {  	_ =	shalt  }
0x70: {  	_ =	shalt  }
0x71: {  	_ =	shalt  }
0x72: {  	_ =	shalt  }
0x73: {  	_ =	shalt  }
0x74: {  	_ =	shalt  }
0x75: {  	_ =	shalt  }
0x76: {  	_ =	shalt  }
0x77: {  	_ =	shalt  }
0x78: {  	_ =	shalt  }
0x79: {  	_ =	shalt  }
0x7a: {  	_ =	shalt  }
0x7b: {  	_ =	shalt  }
0x7c: {  	_ =	shalt  }
0x7d: {  	_ =	shalt  }
0x7e: {  	_ =	shalt  }
0x7f: {  	_ =	shalt  }
0x80: {  	_ =	shalt  }
0x81: {  	_ =	shalt  }
0x82: {  	_ =	shalt  }
0x83: {  	_ =	shalt  }
0x84: {  	_ =	shalt  }
0x85: {  	_ =	shalt  }
0x86: {  	_ =	shalt  }
0x87: {  	_ =	shalt  }
.Lfunc_end0:
.L_simem_size_0:
called_computation_lowered:
.L_overlay_start_0:
0x88: {  	s2 =	sld [smem:$0x3FD9]  }
0x89: {  	s3 =	sld [smem:$0x3FFE];
	_ =	sdelay $0x1  }
0x8a: {  	s1 =	srdreg.scid  }
0x8b: {  	s0 =	sand.u32 $0x1, s1  }
0x8c: {  	s16 =	sshll.u32 s0, $0xA;
	s2 =	sadd.s32 s3, s2  }
0x8d: {  	s2 =	sadd.s32 s2, s16  }
0x8e: {  	[smem:$0x3FAD] =	sst s2  }
0x8f: {  	_ = 	snop  }
0x90: {  	(tm) =	ssettm $0x1  }
0x91: {  	s17 =	sld [smem:$0x3FFB];
	_ =	sdelay $0x3  }
0x92: {  	_ =	strace s17  }
0x93: {  	s2 =	sld [smem:$0x3FFC];
	_ =	sdelay $0x3  }
0x94: {  	_ =	strace s2  }
0x95: {  	s2 =	sld [smem:$0x3FFD];
	_ =	sdelay $0x3  }
0x96: {  	_ =	strace s2  }
0x97: {  	_ =	strace $0x8FFFFFFF  }
0x98: {  	s18 =	sld [smem:$0x3FDB];
	_ =	sdelay $0x1  }
0x99: {  	s19 =	simm.s32 $_scs_section_size  }
0x9a: {  	s4 =	simm.s32 $_size__tile_overlayer_lowered;
	s5 =	simm.s32 $_tile_overlayer_lowered  }
0x9b: {  	s22 =	simm.s32 $0x1BFF;
	s21 =	sshll.u32 s5, $0x1;
	s2 =	sadd.s32 s19, s18  }
0x9c: {  	s6 =	simm.s32 $0x0;
	s20 =	sshll.u32 s4, $0x1;
	s4 =	sadd.s32 s21, s2  }
0x9d: {  	[timem:s6], [sflag:s22] =	dma.local [hbm:s4], s20  }
0x9e: {  	_ =	swait.ge [sflag:s22], s20  }
0x9f: {  	s3 =	ssub.s32 $0x0, s20;
	[sflag:s22] =	ssyncset.done $0x0  }
0xa0: {  	[sflag:s22] =	ssyncadd.s32 s3;
	_ =	sdelay $0x1  }
0xa1: {  	s23 =	simm.s32 $0x1B8B  }
0xa2: {  	_ =	swait.ge [sflag:s23], $0x1  }
0xa3: {  	[sflag:s23] =	ssyncset.done $0x0  }
0xa4: {  	s25 =	simm.s32 $0x1B8E;
	s24 =	sld [smem:$0x3FFE];
	[sflag:s23] =	ssyncadd.s32 $0xFFFFFFFF  }
0xa5: {  	s26 =	simm.s32 $execute0_lowered;
	[smem:$0x3FD2] =	sst s25  }
0xa6: {  	s4 =	sshll.u32 s26, $0x1;
	_ =	strace $0x80000046;
	[dreg:$0x1] =	wrdreg $0xFFFFFFFF  }
0xa7: {  	s28 =	simm.s32 $_size_execute0_lowered;
	s2 =	sadd.s32 s2, s4;
	[dreg:$0x0] =	wrdreg $0x0  }
0xa8: {  	s4 =	sshll.u32 s28, $0x1;
	[dreg:$0x2] =	wrdreg s2  }
0xa9: {  	[dreg:$0x3] =	wrdreg s4  }
0xaa: {  	[dreg:$0x4] =	wrdreg $0xC0  }
0xab: {  	_ =	task [dreg:s6], $0x5FFFF  }
0xac: {  	[dreg:$0x1] =	wrdreg $0xFFFFFFFF  }
0xad: {  	[dreg:$0x0] =	wrdreg $0x60  }
0xae: {  	[dreg:$0x2] =	wrdreg s24  }
0xaf: {  	[dreg:$0x3] =	wrdreg $0x9  }
0xb0: {  	_ =	task.clear_ibuf [dreg:s6], $0x4FFFF;
	_ =	strace $0x90000046  }
0xb1: {  	s29 =	simm.s32 $0x9;
	_ =	strace $0x80000048  }
0xb2: {  	_ =	swait.ge [sflag:s29], $0x1  }
0xb3: {  	[sflag:s29] =	ssyncadd.s32 $0xFFFFFFFF  }
0xb4: {  	_ =	strace $0x90000048  }
0xb5: {  	_ =	sfence  }
0xb6: {  	s30 =	sld [smem:$0x0];
	_ =	sdelay $0x2  }
0xb7: {  	s31 =	sshll.u32 s1, $0xD;
	s1 =	sshrl.u32 s1, $0x2  }
0xb8: {  	s3 =	sand.u32 $0x4000, s31;
	s1 =	sadd.s32 s1, s30  }
0xb9: {  	s0 =	sor.u32 s3, s0;
	s1 =	sshll.u32 s1, $0x11  }
0xba: {  	s0 =	sor.u32 s1, s0  }
0xbb: {  	s0 =	sadd.s32 $0x8F2B, s0  }
0xbc: {  	[sflag:s0] =	ssyncadd.remote.s32 $0x1  }
0xbd: {  	_ =	sfence.sel $0xFFFF  }
0xbe: {  	[dreg:$0x0] =	wrdreg $0xFFFFFFFF;
	(pc) =	sbr.abs _section_cstart, $3  }
0xbf: {  	[dreg:$0x1] =	wrdreg $0xFFFFFFFF  }
0xc0: {  	_ =	task.clear_ibuf [dreg:s6], $0x2FFFF;
	_ =	strace $0x9FFFFFFF  }
0xc1: {  	(tm) =	ssettm $0x7FFFFFFF  }
tec
execute0_lowered:
.L_overlay_start_1:
0x0: {  	(tag) =	ssettag $0x1  }
0x1: {  	s1 =	stileid.u32  }
0x2: {  	p0 =	sgt.u32 s1, $0xD  }
.Ltmp0:
0x3: {  	_ = 	snop;
	(pc) =	sbr.rel @p0 .LBB2_11-.Ltmp0, $4  }
0x4: {  	_ = 	snop  }
0x5: {  	s4 =	rddreg [dreg:$0x0];
	s2 =	simm.s32 $0x0  }
0x6: {  	[smem:$0x7FF] =	sst s2  }
0x7: {  	s0 =	rddreg [dreg:$0x1];
	_ =	strace $0x80000047  }
0x8: {  	s3 =	srdreg.scid  }
0x9: {  	s30 =	sshll.u32 s1, $0x1;
	s5 =	sand.u32 $0x1, s3  }
0xa: {  	s8 =	simm.s32 $0x9C400;
	s6 =	sor.u32 s5, s30  }
0xb: {  	s9 =	sadd.s32 $0x17800, s4;
	p1 =	slt.u32 s30, $0x1C;
	s7 =	sadd.s32 $0xFFFFFFE4, s6  }
0xc: {  	s14 =	simm.s32 $0x9C40;
	s15 =	simm.s32 $0x2;
	s7 =	smov.u32 @p1 s6  }
0xd: {  	s3 =	simm.s32 $0x111700;
	s8 =	simm.s32 @!p0 $0x0;
	s6 =	smul.u32 $0x9C40, s7  }
0xe: {  	s16 =	simm.s32 $0x0;
	s3 =	simm.s32 @!p0 $0x0;
	s10 =	sshrl.u32 s8, $0x3  }
0xf: {  	s31 =	ssub.s32 $0x2, s5;
	s5 =	sadd.s32 $0x3E80, s8;
	s6 =	sadd.s32 s3, s6  }
0x10: {  	s13 =	smul.u32 $0x1388, s7;
	s3 =	sadd.s32 $0x3E00, s4;
	s6 =	sshrl.u32 s6, $0x3  }
0x11: {  	s12 =	sshrl.u32 s31, $0x1;
	s11 =	sadd.s32 s6, s4;
	s4 =	sadd.s32 s3, s10  }
0x12: {  	s6 =	sadd.s32 $0x7D00, s8;
	s10 =	ssub.s32 s31, s12;
	s8 =	sadd.s32 s9, s13  }
0x13: {  	s12 =	simm.s32 $0x17700;
	s13 =	simm.s32 $0x1;
	s7 =	sadd.s32 $0x39C00, s11  }
0x14: {  	v0 =	vimm.f32 $0.0e+00;
	s9 =	smax.u32 s10, $0x1;
	s10 =	simm.s32 $0x3;
	s11 =	simm.s32 $0x13880  }
.LBB2_2:
0x15: {  	s17 =	simm.s32 $0x0  }
0x16: {  	[tilespmem:s17], [sflag:$0x3] =	stream.linear.gather [hbm4b:s8+s17], $0x9C40, $0x38;
	[tilespmem:$0x1B580] =	vst v63  }
0x17: {  	_ =	swait.ge [sflag:s10], $0x9C40  }
0x18: {  	[sflag:s10] =	ssyncset.done $0x0  }
0x19: {  	s18 =	simm.s32 $0x40;
	s17 =	simm.s32 $0x0;
	[sflag:s10] =	ssyncadd.s32 $0xFFFF63C0  }
.LBB2_3:
0x1a: {  	p0 =	sne.s32 s18, $0x9C00;
	[tilespmem:s17+$0x11170] =	vst v0;
	s19 =	smov.u32 s18;
	s18 =	sadd.s32 $0x40, s18  }
.Ltmp1:
0x1b: {  	[tilespmem:s17+$0xEA60] =	vst v0;
	(pc) =	sbr.rel @p0 .LBB2_3-.Ltmp1, $3  }
0x1c: {  	[tilespmem:s17+$0x9C40] =	vst v0  }
0x1d: {  	[tilespmem:s17+$0xC350] =	vst v0;
	_ =	sdelay $0x1  }
0x1e: {  	s17 =	sshra.s32 s19, $0x2  }
0x1f: {  	[tilespmem:s17+$0x11170] =	vst v0  }
0x20: {  	[tilespmem:s17+$0xEA60] =	vst v0  }
0x21: {  	[tilespmem:s17+$0x9C40] =	vst v0  }
0x22: {  	[tilespmem:s17+$0xC350] =	vst v0;
	s17 =	simm.s32 $0x0  }
0x23: {  	[tilespmem:s11], [sflag:$0x1] =	stream.linear.gather [hbm4b:s4+s17], $0x3E80, $0x38;
	[tilespmem:$0x1B580] =	vst v63  }
.LBB2_5:
0x24: {  	s18 =	smul.u32 $0x7D00, s17;
	_ =	sdelay $0x1  }
0x25: {  	s19 =	sadd.s32 s18, s5  }
0x26: {  	s19 =	sshrl.u32 s19, $0x3  }
0x27: {  	s19 =	sadd.s32 s3, s19  }
0x28: {  	[tilespmem:s12], [sflag:$0x2] =	stream.linear.gather [hbm4b:s19+s2], $0x3E80, $0x38;
	[tilespmem:$0x1B580] =	vst v63  }
0x29: {  	_ =	swait.ge [sflag:s13], $0x3E80  }
0x2a: {  	[sflag:s13] =	ssyncset.done $0x0  }
0x2b: {  	s31 =	simm.s32 $0x138C0;
	[sflag:s13] =	ssyncadd.s32 $0xFFFFC180  }
0x2c: {  	v1 =	vld [tilespmem:s31+$0x30]  }
0x2d: {  	v2 =	vld [tilespmem:s31+$0xFFFFFFD0]  }
0x2e: {  	v3 =	vld [tilespmem:s31+$0xFFFFFFE0]  }
0x2f: {  	v4 =	vld [tilespmem:s31+$0xFFFFFFF0]  }
0x30: {  	v5 =	vld [tilespmem:s31+$0x0]  }
0x31: {  	v6 =	vld [tilespmem:s31+$0x10];
	v7 =	vand.u32 $0xFFFF, v1  }
0x32: {  	v10 =	vld [tilespmem:s31+$0xFFFFFFC0];
	v8 =	vand.u32 $0xFFFF, v2  }
0x33: {  	v12 =	vld [tilespmem:s31+$0x20];
	v9 =	vand.u32 $0xFFFF, v3  }
0x34: {  	v11 =	vand.u32 $0xFFFF, v4  }
0x35: {  	v13 =	vand.u32 $0xFFFF, v5  }
0x36: {  	v14 =	vand.u32 $0xFFFF, v6;
	v15 =	vld.idx.msk [tilespmem:v7+s2+$0x0], $0xffff  }
0x37: {  	v19 =	vand.u32 $0xFFFF, v10;
	v16 =	vld.idx.msk [tilespmem:v8+s2+$0x0], $0xffff  }
0x38: {  	v21 =	vand.u32 $0xFFFF, v12;
	v17 =	vld.idx.msk [tilespmem:v9+s2+$0x0], $0xffff  }
0x39: {  	v1 =	vshrl.u32 v1, $0x10;
	v20 =	vld.idx.msk [tilespmem:v11+s2+$0x0], $0xffff  }
0x3a: {  	v2 =	vshrl.u32 v2, $0x10;
	v22 =	vld.idx.msk [tilespmem:v13+s2+$0x0], $0xffff  }
0x3b: {  	v3 =	vshrl.u32 v3, $0x10;
	v23 =	vld.idx.msk [tilespmem:v14+s2+$0x0], $0xffff  }
0x3c: {  	v4 =	vshrl.u32 v4, $0x10;
	v63 =	vld.idx.msk [tilespmem:v19+s2+$0x0], $0xffff  }
0x3d: {  	v10 =	vshrl.u32 v10, $0x10;
	v25 =	vld.idx.msk [tilespmem:v21+s2+$0x0], $0xffff  }
0x3e: {  	v5 =	vshrl.u32 v5, $0x10;
	[tilespmem:v1+s14+$0x0] =	vst.idx.add.f32.msk $0xffff, v15  }
0x3f: {  	v6 =	vshrl.u32 v6, $0x10;
	[tilespmem:v2+s14+$0x0] =	vst.idx.add.f32.msk $0xffff, v16  }
0x40: {  	v12 =	vshrl.u32 v12, $0x10;
	[tilespmem:v3+s14+$0x0] =	vst.idx.add.f32.msk $0xffff, v17  }
0x41: {  	v18 =	vadd.s32 $0x2710, v7;
	[tilespmem:v4+s14+$0x0] =	vst.idx.add.f32.msk $0xffff, v20  }
0x42: {  	v31 =	vadd.s32 $0x2710, v8;
	[tilespmem:v10+s14+$0x0] =	vst.idx.add.f32.msk $0xffff, v63  }
0x43: {  	v32 =	vadd.s32 $0x2710, v9;
	[tilespmem:v5+s14+$0x0] =	vst.idx.add.f32.msk $0xffff, v22  }
0x44: {  	v33 =	vadd.s32 $0x2710, v11;
	[tilespmem:v6+s14+$0x0] =	vst.idx.add.f32.msk $0xffff, v23  }
0x45: {  	v34 =	vadd.s32 $0x2710, v13;
	[tilespmem:v12+s14+$0x0] =	vst.idx.add.f32.msk $0xffff, v25  }
0x46: {  	v35 =	vadd.s32 $0x2710, v14;
	v15 =	vld.idx.msk [tilespmem:v18+s2+$0x0], $0xffff  }
0x47: {  	v24 =	vadd.s32 $0x2710, v1;
	v36 =	vld.idx.msk [tilespmem:v31+s2+$0x0], $0xffff  }
0x48: {  	v28 =	vadd.s32 $0x2710, v19;
	v20 =	vld.idx.msk [tilespmem:v32+s2+$0x0], $0xffff  }
0x49: {  	v26 =	vadd.s32 $0x4E20, v7;
	v22 =	vld.idx.msk [tilespmem:v33+s2+$0x0], $0xffff  }
0x4a: {  	v39 =	vadd.s32 $0x2710, v2;
	v23 =	vld.idx.msk [tilespmem:v34+s2+$0x0], $0xffff  }
0x4b: {  	v40 =	vadd.s32 $0x2710, v3;
	v16 =	vld.idx.msk [tilespmem:v35+s2+$0x0], $0xffff  }
0x4c: {  	v27 =	vadd.s32 $0x2710, v4;
	[tilespmem:v24+s14+$0x0] =	vst.idx.add.f32.msk $0xffff, v15  }
0x4d: {  	v41 =	vadd.s32 $0x2710, v6;
	v15 =	vld.idx.msk [tilespmem:v28+s2+$0x0], $0xffff  }
0x4e: {  	v30 =	vadd.s32 $0x4E20, v1;
	v29 =	vld.idx.msk [tilespmem:v26+s2+$0x0], $0xffff  }
0x4f: {  	v7 =	vadd.s32 $0x7530, v7;
	[tilespmem:v39+s14+$0x0] =	vst.idx.add.f32.msk $0xffff, v36  }
0x50: {  	v44 =	vadd.s32 $0x4E20, v8;
	[tilespmem:v40+s14+$0x0] =	vst.idx.add.f32.msk $0xffff, v20  }
0x51: {  	v45 =	vadd.s32 $0x4E20, v9;
	[tilespmem:v27+s14+$0x0] =	vst.idx.add.f32.msk $0xffff, v22  }
0x52: {  	v38 =	vadd.s32 $0x2710, v10;
	[tilespmem:v41+s14+$0x0] =	vst.idx.add.f32.msk $0xffff, v16  }
0x53: {  	v43 =	vadd.s32 $0x4E20, v19;
	[tilespmem:v30+s14+$0x0] =	vst.idx.add.f32.msk $0xffff, v29  }
0x54: {  	v1 =	vadd.s32 $0x7530, v1;
	v7 =	vld.idx.msk [tilespmem:v7+s2+$0x0], $0xffff  }
0x55: {  	v37 =	vadd.s32 $0x2710, v21;
	v49 =	vld.idx.msk [tilespmem:v44+s2+$0x0], $0xffff  }
0x56: {  	v51 =	vadd.s32 $0x4E20, v2;
	v22 =	vld.idx.msk [tilespmem:v45+s2+$0x0], $0xffff  }
0x57: {  	v52 =	vadd.s32 $0x4E20, v3;
	[tilespmem:v38+s14+$0x0] =	vst.idx.add.f32.msk $0xffff, v15  }
0x58: {  	v8 =	vadd.s32 $0x7530, v8;
	v47 =	vld.idx.msk [tilespmem:v43+s2+$0x0], $0xffff  }
0x59: {  	[tilespmem:v1+s14+$0x0] =	vst.idx.add.f32.msk $0xffff, v7;
	v1 =	vadd.s32 $0x2710, v5  }
0x5a: {  	v42 =	vadd.s32 $0x2710, v12;
	v7 =	vld.idx.msk [tilespmem:v37+s2+$0x0], $0xffff  }
0x5b: {  	v50 =	vadd.s32 $0x4E20, v10;
	[tilespmem:v51+s14+$0x0] =	vst.idx.add.f32.msk $0xffff, v49  }
0x5c: {  	v57 =	vadd.s32 $0x7530, v19;
	[tilespmem:v52+s14+$0x0] =	vst.idx.add.f32.msk $0xffff, v22  }
0x5d: {  	v2 =	vadd.s32 $0x7530, v2;
	v8 =	vld.idx.msk [tilespmem:v8+s2+$0x0], $0xffff  }
0x5e: {  	[tilespmem:v1+s14+$0x0] =	vst.idx.add.f32.msk $0xffff, v23;
	v1 =	vadd.s32 $0x4E20, v11  }
0x5f: {  	[tilespmem:v42+s14+$0x0] =	vst.idx.add.f32.msk $0xffff, v7;
	v7 =	vadd.s32 $0x4E20, v14  }
0x60: {  	v46 =	vadd.s32 $0x4E20, v13;
	[tilespmem:v50+s14+$0x0] =	vst.idx.add.f32.msk $0xffff, v47  }
0x61: {  	v48 =	vadd.s32 $0x4E20, v21;
	v60 =	vld.idx.msk [tilespmem:v57+s2+$0x0], $0xffff  }
0x62: {  	v10 =	vadd.s32 $0x7530, v10;
	[tilespmem:v2+s14+$0x0] =	vst.idx.add.f32.msk $0xffff, v8  }
0x63: {  	v53 =	vadd.s32 $0x4E20, v4;
	v1 =	vld.idx.msk [tilespmem:v1+s2+$0x0], $0xffff  }
0x64: {  	v55 =	vadd.s32 $0x4E20, v6;
	v7 =	vld.idx.msk [tilespmem:v7+s2+$0x0], $0xffff  }
0x65: {  	v54 =	vadd.s32 $0x4E20, v5;
	v16 =	vld.idx.msk [tilespmem:v46+s2+$0x0], $0xffff  }
0x66: {  	v56 =	vadd.s32 $0x4E20, v12;
	v17 =	vld.idx.msk [tilespmem:v48+s2+$0x0], $0xffff  }
0x67: {  	v58 =	vadd.s32 $0x7530, v11;
	[tilespmem:v10+s14+$0x0] =	vst.idx.add.f32.msk $0xffff, v60  }
0x68: {  	[tilespmem:v53+s14+$0x0] =	vst.idx.add.f32.msk $0xffff, v1;
	v1 =	vadd.s32 $0x7530, v9  }
0x69: {  	[tilespmem:v55+s14+$0x0] =	vst.idx.add.f32.msk $0xffff, v7;
	v7 =	vadd.s32 $0x7530, v13  }
0x6a: {  	v61 =	vadd.s32 $0x7530, v21;
	[tilespmem:v54+s14+$0x0] =	vst.idx.add.f32.msk $0xffff, v16  }
0x6b: {  	v59 =	vadd.s32 $0x7530, v14;
	[tilespmem:v56+s14+$0x0] =	vst.idx.add.f32.msk $0xffff, v17  }
0x6c: {  	v63 =	vadd.s32 $0x7530, v4;
	v9 =	vld.idx.msk [tilespmem:v58+s2+$0x0], $0xffff  }
0x6d: {  	v62 =	vadd.s32 $0x7530, v3;
	v1 =	vld.idx.msk [tilespmem:v1+s2+$0x0], $0xffff  }
0x6e: {  	v5 =	vadd.s32 $0x7530, v5;
	v7 =	vld.idx.msk [tilespmem:v7+s2+$0x0], $0xffff  }
0x6f: {  	v3 =	vld.idx.msk [tilespmem:v61+s2+$0x0], $0xffff  }
0x70: {  	v4 =	vld.idx.msk [tilespmem:v59+s2+$0x0], $0xffff  }
0x71: {  	[tilespmem:v63+s14+$0x0] =	vst.idx.add.f32.msk $0xffff, v9  }
0x72: {  	[tilespmem:v62+s14+$0x0] =	vst.idx.add.f32.msk $0xffff, v1  }
0x73: {  	s20 =	simm.s32 $0x13940;
	s19 =	simm.s32 $0x0;
	v2 =	vadd.s32 $0x7530, v6;
	v1 =	vadd.s32 $0x7530, v12;
	[tilespmem:v5+s14+$0x0] =	vst.idx.add.f32.msk $0xffff, v7  }
.LBB2_6:
0x74: {  	v5 =	vld [tilespmem:s20+$0x30];
	s19 =	sadd.s32 $0x8, s19  }
0x75: {  	v6 =	vld [tilespmem:s20+$0xFFFFFFD0];
	p0 =	slt.u32 s19, $0x3E0  }
0x76: {  	v7 =	vld [tilespmem:s20+$0xFFFFFFE0]  }
0x77: {  	v8 =	vld [tilespmem:s20+$0xFFFFFFF0]  }
0x78: {  	v9 =	vld [tilespmem:s20+$0x0]  }
0x79: {  	v10 =	vld [tilespmem:s20+$0x10];
	v11 =	vand.u32 $0xFFFF, v5  }
0x7a: {  	v12 =	vshrl.u32 v6, $0x10;
	v6 =	vand.u32 $0xFFFF, v6;
	v13 =	vld [tilespmem:s20+$0x20]  }
0x7b: {  	v14 =	vld [tilespmem:s20+$0xFFFFFFC0];
	v15 =	vadd.s32 $0x2710, v6;
	v16 =	vshrl.u32 v7, $0x10;
	v7 =	vand.u32 $0xFFFF, v7  }
0x7c: {  	v17 =	vadd.s32 $0x2710, v7;
	v18 =	vshrl.u32 v8, $0x10;
	v8 =	vand.u32 $0xFFFF, v8;
	[tilespmem:v2+s14+$0x0] =	vst.idx.add.f32.msk $0xffff, v4  }
0x7d: {  	v4 =	vadd.s32 $0x2710, v8;
	v2 =	vshrl.u32 v9, $0x10;
	v9 =	vand.u32 $0xFFFF, v9;
	[tilespmem:v1+s14+$0x0] =	vst.idx.add.f32.msk $0xffff, v3  }
0x7e: {  	v3 =	vadd.s32 $0x2710, v9;
	v19 =	vshrl.u32 v10, $0x10;
	v1 =	vand.u32 $0xFFFF, v10;
	v10 =	vld.idx.msk [tilespmem:v11+s2+$0x0], $0xffff  }
0x7f: {  	v5 =	vshrl.u32 v5, $0x10;
	v20 =	vld.idx.msk [tilespmem:v6+s2+$0x0], $0xffff;
	v21 =	vshrl.u32 v13, $0x10;
	v13 =	vand.u32 $0xFFFF, v13  }
0x80: {  	v24 =	vadd.s32 $0x2710, v11;
	v22 =	vshrl.u32 v14, $0x10;
	v14 =	vand.u32 $0xFFFF, v14;
	v23 =	vld.idx.msk [tilespmem:v7+s2+$0x0], $0xffff  }
0x81: {  	v27 =	vadd.s32 $0x2710, v1;
	v28 =	vadd.s32 $0x2710, v13;
	v25 =	vadd.s32 $0x2710, v14;
	v26 =	vld.idx.msk [tilespmem:v8+s2+$0x0], $0xffff  }
0x82: {  	v30 =	vadd.s32 $0x2710, v12;
	v31 =	vadd.s32 $0x2710, v16;
	v29 =	vadd.s32 $0x2710, v22;
	v32 =	vld.idx.msk [tilespmem:v9+s2+$0x0], $0xffff  }
0x83: {  	v33 =	vadd.s32 $0x2710, v18;
	v34 =	vadd.s32 $0x2710, v2;
	v36 =	vadd.s32 $0x2710, v19;
	v35 =	vld.idx.msk [tilespmem:v1+s2+$0x0], $0xffff  }
0x84: {  	v38 =	vadd.s32 $0x4E20, v6;
	v39 =	vadd.s32 $0x2710, v21;
	v37 =	vadd.s32 $0x4E20, v14;
	[tilespmem:v5+s14+$0x0] =	vst.idx.add.f32.msk $0xffff, v10  }
0x85: {  	v40 =	vadd.s32 $0x4E20, v8;
	v41 =	vadd.s32 $0x4E20, v9;
	v10 =	vadd.s32 $0x4E20, v7;
	v24 =	vld.idx.msk [tilespmem:v24+s2+$0x0], $0xffff  }
0x86: {  	v45 =	vadd.s32 $0x2710, v5;
	v43 =	vadd.s32 $0x4E20, v1;
	v44 =	vadd.s32 $0x4E20, v13;
	v42 =	vld.idx.msk [tilespmem:v14+s2+$0x0], $0xffff  }
0x87: {  	v49 =	vadd.s32 $0x4E20, v11;
	v47 =	vadd.s32 $0x4E20, v12;
	v46 =	vadd.s32 $0x4E20, v22;
	v48 =	vld.idx.msk [tilespmem:v13+s2+$0x0], $0xffff  }
0x88: {  	v50 =	vadd.s32 $0x4E20, v18;
	v51 =	vadd.s32 $0x4E20, v2;
	[tilespmem:v12+s14+$0x0] =	vst.idx.add.f32.msk $0xffff, v20;
	v20 =	vadd.s32 $0x4E20, v16  }
0x89: {  	v52 =	vadd.s32 $0x4E20, v21;
	v14 =	vadd.s32 $0x7530, v14;
	[tilespmem:v16+s14+$0x0] =	vst.idx.add.f32.msk $0xffff, v23;
	v23 =	vadd.s32 $0x4E20, v19  }
0x8a: {  	v6 =	vadd.s32 $0x7530, v6;
	v8 =	vadd.s32 $0x7530, v8;
	v7 =	vadd.s32 $0x7530, v7;
	[tilespmem:v18+s14+$0x0] =	vst.idx.add.f32.msk $0xffff, v26  }
0x8b: {  	v9 =	vadd.s32 $0x7530, v9;
	v13 =	vadd.s32 $0x7530, v13;
	v26 =	vadd.s32 $0x7530, v1;
	[tilespmem:v45+s14+$0x0] =	vst.idx.add.f32.msk $0xffff, v24  }
0x8c: {  	v12 =	vadd.s32 $0x7530, v12;
	v16 =	vadd.s32 $0x7530, v16;
	v24 =	vadd.s32 $0x7530, v22;
	v45 =	vld.idx.msk [tilespmem:v49+s2+$0x0], $0xffff  }
0x8d: {  	v18 =	vadd.s32 $0x7530, v18;
	[tilespmem:v22+s14+$0x0] =	vst.idx.add.f32.msk $0xffff, v42;
	v22 =	vadd.s32 $0x7530, v2;
	v42 =	vadd.s32 $0x4E20, v5  }
0x8e: {  	v11 =	vadd.s32 $0x7530, v11;
	v1 =	vadd.s32 $0x7530, v21;
	[tilespmem:v2+s14+$0x0] =	vst.idx.add.f32.msk $0xffff, v32;
	v2 =	vadd.s32 $0x7530, v19  }
0x8f: {  	[tilespmem:v19+s14+$0x0] =	vst.idx.add.f32.msk $0xffff, v35  }
0x90: {  	[tilespmem:v21+s14+$0x0] =	vst.idx.add.f32.msk $0xffff, v48  }
0x91: {  	v19 =	vld.idx.msk [tilespmem:v25+s2+$0x0], $0xffff  }
0x92: {  	[tilespmem:v42+s14+$0x0] =	vst.idx.add.f32.msk $0xffff, v45  }
0x93: {  	v11 =	vld.idx.msk [tilespmem:v11+s2+$0x0], $0xffff  }
0x94: {  	v5 =	vadd.s32 $0x7530, v5;
	v15 =	vld.idx.msk [tilespmem:v15+s2+$0x0], $0xffff  }
0x95: {  	v17 =	vld.idx.msk [tilespmem:v17+s2+$0x0], $0xffff  }
0x96: {  	v4 =	vld.idx.msk [tilespmem:v4+s2+$0x0], $0xffff  }
0x97: {  	v3 =	vld.idx.msk [tilespmem:v3+s2+$0x0], $0xffff  }
0x98: {  	v21 =	vld.idx.msk [tilespmem:v27+s2+$0x0], $0xffff  }
0x99: {  	[tilespmem:v5+s14+$0x0] =	vst.idx.add.f32.msk $0xffff, v11  }
0x9a: {  	v5 =	vld.idx.msk [tilespmem:v28+s2+$0x0], $0xffff  }
0x9b: {  	[tilespmem:v29+s14+$0x0] =	vst.idx.add.f32.msk $0xffff, v19  }
0x9c: {  	[tilespmem:v30+s14+$0x0] =	vst.idx.add.f32.msk $0xffff, v15  }
0x9d: {  	[tilespmem:v31+s14+$0x0] =	vst.idx.add.f32.msk $0xffff, v17  }
0x9e: {  	[tilespmem:v33+s14+$0x0] =	vst.idx.add.f32.msk $0xffff, v4  }
0x9f: {  	[tilespmem:v34+s14+$0x0] =	vst.idx.add.f32.msk $0xffff, v3  }
0xa0: {  	[tilespmem:v36+s14+$0x0] =	vst.idx.add.f32.msk $0xffff, v21  }
0xa1: {  	[tilespmem:v39+s14+$0x0] =	vst.idx.add.f32.msk $0xffff, v5  }
0xa2: {  	v3 =	vld.idx.msk [tilespmem:v37+s2+$0x0], $0xffff  }
0xa3: {  	v4 =	vld.idx.msk [tilespmem:v38+s2+$0x0], $0xffff  }
0xa4: {  	v5 =	vld.idx.msk [tilespmem:v10+s2+$0x0], $0xffff  }
0xa5: {  	v10 =	vld.idx.msk [tilespmem:v40+s2+$0x0], $0xffff  }
0xa6: {  	v11 =	vld.idx.msk [tilespmem:v41+s2+$0x0], $0xffff  }
0xa7: {  	v15 =	vld.idx.msk [tilespmem:v43+s2+$0x0], $0xffff  }
0xa8: {  	v17 =	vld.idx.msk [tilespmem:v44+s2+$0x0], $0xffff  }
0xa9: {  	[tilespmem:v46+s14+$0x0] =	vst.idx.add.f32.msk $0xffff, v3  }
0xaa: {  	[tilespmem:v47+s14+$0x0] =	vst.idx.add.f32.msk $0xffff, v4  }
0xab: {  	[tilespmem:v20+s14+$0x0] =	vst.idx.add.f32.msk $0xffff, v5  }
0xac: {  	[tilespmem:v50+s14+$0x0] =	vst.idx.add.f32.msk $0xffff, v10  }
0xad: {  	[tilespmem:v51+s14+$0x0] =	vst.idx.add.f32.msk $0xffff, v11  }
0xae: {  	[tilespmem:v23+s14+$0x0] =	vst.idx.add.f32.msk $0xffff, v15  }
0xaf: {  	[tilespmem:v52+s14+$0x0] =	vst.idx.add.f32.msk $0xffff, v17  }
0xb0: {  	v5 =	vld.idx.msk [tilespmem:v14+s2+$0x0], $0xffff  }
0xb1: {  	v6 =	vld.idx.msk [tilespmem:v6+s2+$0x0], $0xffff  }
0xb2: {  	v7 =	vld.idx.msk [tilespmem:v7+s2+$0x0], $0xffff  }
0xb3: {  	v8 =	vld.idx.msk [tilespmem:v8+s2+$0x0], $0xffff  }
0xb4: {  	v9 =	vld.idx.msk [tilespmem:v9+s2+$0x0], $0xffff  }
0xb5: {  	v4 =	vld.idx.msk [tilespmem:v26+s2+$0x0], $0xffff  }
0xb6: {  	v3 =	vld.idx.msk [tilespmem:v13+s2+$0x0], $0xffff  }
.Ltmp2:
0xb7: {  	[tilespmem:v24+s14+$0x0] =	vst.idx.add.f32.msk $0xffff, v5;
	(pc) =	sbr.rel @p0 .LBB2_6-.Ltmp2, $4  }
0xb8: {  	[tilespmem:v12+s14+$0x0] =	vst.idx.add.f32.msk $0xffff, v6  }
0xb9: {  	[tilespmem:v16+s14+$0x0] =	vst.idx.add.f32.msk $0xffff, v7  }
0xba: {  	[tilespmem:v18+s14+$0x0] =	vst.idx.add.f32.msk $0xffff, v8  }
0xbb: {  	s20 =	sadd.s32 $0x80, s20;
	[tilespmem:v22+s14+$0x0] =	vst.idx.add.f32.msk $0xffff, v9  }
0xbc: {  	_ =	sdelay $0x1  }
0xbd: {  	p0 =	seq.s32 s17, $0x13  }
0xbe: {  	s18 =	sadd.s32 @!p0 s18, s6  }
0xbf: {  	[tilespmem:v2+s14+$0x0] =	vst.idx.add.f32.msk $0xffff, v4;
	s18 =	sshrl.u32 @!p0 s18, $0x3  }
0xc0: {  	[tilespmem:v1+s14+$0x0] =	vst.idx.add.f32.msk $0xffff, v3;
	s19 =	simm.s32 @!p0 $0x0;
	s20 =	simm.s32 @!p0 $0x13880;
	s18 =	sadd.s32 @!p0 s3, s18  }
0xc1: {  	[tilespmem:s20], [sflag:$0x1] =	stream.linear.gather @!p0 [hbm4b:s18+s19], $0x3E80, $0x38;
	[tilespmem:$0x1B580] =	vst v63  }
0xc2: {  	_ =	swait.ge [sflag:s15], $0x3E80  }
0xc3: {  	[sflag:s15] =	ssyncset.done $0x0  }
0xc4: {  	s31 =	simm.s32 $0x17740;
	[sflag:s15] =	ssyncadd.s32 $0xFFFFC180  }
0xc5: {  	v1 =	vld [tilespmem:s31+$0x30]  }
0xc6: {  	v2 =	vld [tilespmem:s31+$0xFFFFFFD0]  }
0xc7: {  	v3 =	vld [tilespmem:s31+$0xFFFFFFE0]  }
0xc8: {  	v4 =	vld [tilespmem:s31+$0xFFFFFFF0]  }
0xc9: {  	v5 =	vld [tilespmem:s31+$0x0]  }
0xca: {  	v6 =	vld [tilespmem:s31+$0x10];
	v7 =	vand.u32 $0xFFFF, v1  }
0xcb: {  	v10 =	vld [tilespmem:s31+$0xFFFFFFC0];
	v8 =	vand.u32 $0xFFFF, v2  }
0xcc: {  	v12 =	vld [tilespmem:s31+$0x20];
	v9 =	vand.u32 $0xFFFF, v3  }
0xcd: {  	v11 =	vand.u32 $0xFFFF, v4  }
0xce: {  	v13 =	vand.u32 $0xFFFF, v5  }
0xcf: {  	v14 =	vand.u32 $0xFFFF, v6;
	v15 =	vld.idx.msk [tilespmem:v7+s2+$0x0], $0xffff  }
0xd0: {  	v19 =	vand.u32 $0xFFFF, v10;
	v16 =	vld.idx.msk [tilespmem:v8+s2+$0x0], $0xffff  }
0xd1: {  	v21 =	vand.u32 $0xFFFF, v12;
	v17 =	vld.idx.msk [tilespmem:v9+s2+$0x0], $0xffff  }
0xd2: {  	v1 =	vshrl.u32 v1, $0x10;
	v20 =	vld.idx.msk [tilespmem:v11+s2+$0x0], $0xffff  }
0xd3: {  	v2 =	vshrl.u32 v2, $0x10;
	v22 =	vld.idx.msk [tilespmem:v13+s2+$0x0], $0xffff  }
0xd4: {  	v3 =	vshrl.u32 v3, $0x10;
	v23 =	vld.idx.msk [tilespmem:v14+s2+$0x0], $0xffff  }
0xd5: {  	v4 =	vshrl.u32 v4, $0x10;
	v63 =	vld.idx.msk [tilespmem:v19+s2+$0x0], $0xffff  }
0xd6: {  	v10 =	vshrl.u32 v10, $0x10;
	v25 =	vld.idx.msk [tilespmem:v21+s2+$0x0], $0xffff  }
0xd7: {  	v5 =	vshrl.u32 v5, $0x10;
	[tilespmem:v1+s14+$0x0] =	vst.idx.add.f32.msk $0xffff, v15  }
0xd8: {  	v6 =	vshrl.u32 v6, $0x10;
	[tilespmem:v2+s14+$0x0] =	vst.idx.add.f32.msk $0xffff, v16  }
0xd9: {  	v12 =	vshrl.u32 v12, $0x10;
	[tilespmem:v3+s14+$0x0] =	vst.idx.add.f32.msk $0xffff, v17  }
0xda: {  	v18 =	vadd.s32 $0x2710, v7;
	[tilespmem:v4+s14+$0x0] =	vst.idx.add.f32.msk $0xffff, v20  }
0xdb: {  	v31 =	vadd.s32 $0x2710, v8;
	[tilespmem:v10+s14+$0x0] =	vst.idx.add.f32.msk $0xffff, v63  }
0xdc: {  	v32 =	vadd.s32 $0x2710, v9;
	[tilespmem:v5+s14+$0x0] =	vst.idx.add.f32.msk $0xffff, v22  }
0xdd: {  	v33 =	vadd.s32 $0x2710, v11;
	[tilespmem:v6+s14+$0x0] =	vst.idx.add.f32.msk $0xffff, v23  }
0xde: {  	v34 =	vadd.s32 $0x2710, v13;
	[tilespmem:v12+s14+$0x0] =	vst.idx.add.f32.msk $0xffff, v25  }
0xdf: {  	v35 =	vadd.s32 $0x2710, v14;
	v15 =	vld.idx.msk [tilespmem:v18+s2+$0x0], $0xffff  }
0xe0: {  	v24 =	vadd.s32 $0x2710, v1;
	v36 =	vld.idx.msk [tilespmem:v31+s2+$0x0], $0xffff  }
0xe1: {  	v28 =	vadd.s32 $0x2710, v19;
	v20 =	vld.idx.msk [tilespmem:v32+s2+$0x0], $0xffff  }
0xe2: {  	v26 =	vadd.s32 $0x4E20, v7;
	v22 =	vld.idx.msk [tilespmem:v33+s2+$0x0], $0xffff  }
0xe3: {  	v39 =	vadd.s32 $0x2710, v2;
	v23 =	vld.idx.msk [tilespmem:v34+s2+$0x0], $0xffff  }
0xe4: {  	v40 =	vadd.s32 $0x2710, v3;
	v16 =	vld.idx.msk [tilespmem:v35+s2+$0x0], $0xffff  }
0xe5: {  	v27 =	vadd.s32 $0x2710, v4;
	[tilespmem:v24+s14+$0x0] =	vst.idx.add.f32.msk $0xffff, v15  }
0xe6: {  	v41 =	vadd.s32 $0x2710, v6;
	v15 =	vld.idx.msk [tilespmem:v28+s2+$0x0], $0xffff  }
0xe7: {  	v30 =	vadd.s32 $0x4E20, v1;
	v29 =	vld.idx.msk [tilespmem:v26+s2+$0x0], $0xffff  }
0xe8: {  	v7 =	vadd.s32 $0x7530, v7;
	[tilespmem:v39+s14+$0x0] =	vst.idx.add.f32.msk $0xffff, v36  }
0xe9: {  	v44 =	vadd.s32 $0x4E20, v8;
	[tilespmem:v40+s14+$0x0] =	vst.idx.add.f32.msk $0xffff, v20  }
0xea: {  	v45 =	vadd.s32 $0x4E20, v9;
	[tilespmem:v27+s14+$0x0] =	vst.idx.add.f32.msk $0xffff, v22  }
0xeb: {  	v38 =	vadd.s32 $0x2710, v10;
	[tilespmem:v41+s14+$0x0] =	vst.idx.add.f32.msk $0xffff, v16  }
0xec: {  	v43 =	vadd.s32 $0x4E20, v19;
	[tilespmem:v30+s14+$0x0] =	vst.idx.add.f32.msk $0xffff, v29  }
0xed: {  	v1 =	vadd.s32 $0x7530, v1;
	v7 =	vld.idx.msk [tilespmem:v7+s2+$0x0], $0xffff  }
0xee: {  	v37 =	vadd.s32 $0x2710, v21;
	v49 =	vld.idx.msk [tilespmem:v44+s2+$0x0], $0xffff  }
0xef: {  	v51 =	vadd.s32 $0x4E20, v2;
	v22 =	vld.idx.msk [tilespmem:v45+s2+$0x0], $0xffff  }
0xf0: {  	v52 =	vadd.s32 $0x4E20, v3;
	[tilespmem:v38+s14+$0x0] =	vst.idx.add.f32.msk $0xffff, v15  }
0xf1: {  	v8 =	vadd.s32 $0x7530, v8;
	v47 =	vld.idx.msk [tilespmem:v43+s2+$0x0], $0xffff  }
0xf2: {  	[tilespmem:v1+s14+$0x0] =	vst.idx.add.f32.msk $0xffff, v7;
	v1 =	vadd.s32 $0x2710, v5  }
0xf3: {  	v42 =	vadd.s32 $0x2710, v12;
	v7 =	vld.idx.msk [tilespmem:v37+s2+$0x0], $0xffff  }
0xf4: {  	v50 =	vadd.s32 $0x4E20, v10;
	[tilespmem:v51+s14+$0x0] =	vst.idx.add.f32.msk $0xffff, v49  }
0xf5: {  	v57 =	vadd.s32 $0x7530, v19;
	[tilespmem:v52+s14+$0x0] =	vst.idx.add.f32.msk $0xffff, v22  }
0xf6: {  	v2 =	vadd.s32 $0x7530, v2;
	v8 =	vld.idx.msk [tilespmem:v8+s2+$0x0], $0xffff  }
0xf7: {  	[tilespmem:v1+s14+$0x0] =	vst.idx.add.f32.msk $0xffff, v23;
	v1 =	vadd.s32 $0x4E20, v11  }
0xf8: {  	[tilespmem:v42+s14+$0x0] =	vst.idx.add.f32.msk $0xffff, v7;
	v7 =	vadd.s32 $0x4E20, v14  }
0xf9: {  	v46 =	vadd.s32 $0x4E20, v13;
	[tilespmem:v50+s14+$0x0] =	vst.idx.add.f32.msk $0xffff, v47  }
0xfa: {  	v48 =	vadd.s32 $0x4E20, v21;
	v60 =	vld.idx.msk [tilespmem:v57+s2+$0x0], $0xffff  }
0xfb: {  	v10 =	vadd.s32 $0x7530, v10;
	[tilespmem:v2+s14+$0x0] =	vst.idx.add.f32.msk $0xffff, v8  }
0xfc: {  	v53 =	vadd.s32 $0x4E20, v4;
	v1 =	vld.idx.msk [tilespmem:v1+s2+$0x0], $0xffff  }
0xfd: {  	v55 =	vadd.s32 $0x4E20, v6;
	v7 =	vld.idx.msk [tilespmem:v7+s2+$0x0], $0xffff  }
0xfe: {  	v54 =	vadd.s32 $0x4E20, v5;
	v16 =	vld.idx.msk [tilespmem:v46+s2+$0x0], $0xffff  }
0xff: {  	v56 =	vadd.s32 $0x4E20, v12;
	v17 =	vld.idx.msk [tilespmem:v48+s2+$0x0], $0xffff  }
0x100: {  	v58 =	vadd.s32 $0x7530, v11;
	[tilespmem:v10+s14+$0x0] =	vst.idx.add.f32.msk $0xffff, v60  }
0x101: {  	[tilespmem:v53+s14+$0x0] =	vst.idx.add.f32.msk $0xffff, v1;
	v1 =	vadd.s32 $0x7530, v9  }
0x102: {  	[tilespmem:v55+s14+$0x0] =	vst.idx.add.f32.msk $0xffff, v7;
	v7 =	vadd.s32 $0x7530, v13  }
0x103: {  	v61 =	vadd.s32 $0x7530, v21;
	[tilespmem:v54+s14+$0x0] =	vst.idx.add.f32.msk $0xffff, v16  }
0x104: {  	v59 =	vadd.s32 $0x7530, v14;
	[tilespmem:v56+s14+$0x0] =	vst.idx.add.f32.msk $0xffff, v17  }
0x105: {  	v63 =	vadd.s32 $0x7530, v4;
	v9 =	vld.idx.msk [tilespmem:v58+s2+$0x0], $0xffff  }
0x106: {  	v62 =	vadd.s32 $0x7530, v3;
	v1 =	vld.idx.msk [tilespmem:v1+s2+$0x0], $0xffff  }
0x107: {  	v5 =	vadd.s32 $0x7530, v5;
	v7 =	vld.idx.msk [tilespmem:v7+s2+$0x0], $0xffff  }
0x108: {  	v3 =	vld.idx.msk [tilespmem:v61+s2+$0x0], $0xffff  }
0x109: {  	v4 =	vld.idx.msk [tilespmem:v59+s2+$0x0], $0xffff  }
0x10a: {  	[tilespmem:v63+s14+$0x0] =	vst.idx.add.f32.msk $0xffff, v9  }
0x10b: {  	[tilespmem:v62+s14+$0x0] =	vst.idx.add.f32.msk $0xffff, v1  }
0x10c: {  	s18 =	simm.s32 $0x0;
	s19 =	simm.s32 $0x177C0;
	v2 =	vadd.s32 $0x7530, v6;
	v1 =	vadd.s32 $0x7530, v12;
	[tilespmem:v5+s14+$0x0] =	vst.idx.add.f32.msk $0xffff, v7  }
.LBB2_8:
0x10d: {  	v5 =	vld [tilespmem:s19+$0x30];
	s18 =	sadd.s32 $0x8, s18  }
0x10e: {  	v6 =	vld [tilespmem:s19+$0xFFFFFFD0];
	p0 =	slt.u32 s18, $0x3E0  }
0x10f: {  	v7 =	vld [tilespmem:s19+$0xFFFFFFE0]  }
0x110: {  	v8 =	vld [tilespmem:s19+$0xFFFFFFF0]  }
0x111: {  	v9 =	vld [tilespmem:s19+$0x0]  }
0x112: {  	v10 =	vld [tilespmem:s19+$0x10];
	v11 =	vand.u32 $0xFFFF, v5  }
0x113: {  	v12 =	vshrl.u32 v6, $0x10;
	v6 =	vand.u32 $0xFFFF, v6;
	v13 =	vld [tilespmem:s19+$0x20]  }
0x114: {  	v14 =	vld [tilespmem:s19+$0xFFFFFFC0];
	v15 =	vadd.s32 $0x2710, v6;
	v16 =	vshrl.u32 v7, $0x10;
	v7 =	vand.u32 $0xFFFF, v7  }
0x115: {  	v17 =	vadd.s32 $0x2710, v7;
	v18 =	vshrl.u32 v8, $0x10;
	v8 =	vand.u32 $0xFFFF, v8;
	[tilespmem:v2+s14+$0x0] =	vst.idx.add.f32.msk $0xffff, v4  }
0x116: {  	v4 =	vadd.s32 $0x2710, v8;
	v2 =	vshrl.u32 v9, $0x10;
	v9 =	vand.u32 $0xFFFF, v9;
	[tilespmem:v1+s14+$0x0] =	vst.idx.add.f32.msk $0xffff, v3  }
0x117: {  	v3 =	vadd.s32 $0x2710, v9;
	v19 =	vshrl.u32 v10, $0x10;
	v1 =	vand.u32 $0xFFFF, v10;
	v10 =	vld.idx.msk [tilespmem:v11+s2+$0x0], $0xffff  }
0x118: {  	v5 =	vshrl.u32 v5, $0x10;
	v20 =	vld.idx.msk [tilespmem:v6+s2+$0x0], $0xffff;
	v21 =	vshrl.u32 v13, $0x10;
	v13 =	vand.u32 $0xFFFF, v13  }
0x119: {  	v24 =	vadd.s32 $0x2710, v11;
	v22 =	vshrl.u32 v14, $0x10;
	v14 =	vand.u32 $0xFFFF, v14;
	v23 =	vld.idx.msk [tilespmem:v7+s2+$0x0], $0xffff  }
0x11a: {  	v27 =	vadd.s32 $0x2710, v1;
	v28 =	vadd.s32 $0x2710, v13;
	v25 =	vadd.s32 $0x2710, v14;
	v26 =	vld.idx.msk [tilespmem:v8+s2+$0x0], $0xffff  }
0x11b: {  	v30 =	vadd.s32 $0x2710, v12;
	v31 =	vadd.s32 $0x2710, v16;
	v29 =	vadd.s32 $0x2710, v22;
	v32 =	vld.idx.msk [tilespmem:v9+s2+$0x0], $0xffff  }
0x11c: {  	v33 =	vadd.s32 $0x2710, v18;
	v34 =	vadd.s32 $0x2710, v2;
	v36 =	vadd.s32 $0x2710, v19;
	v35 =	vld.idx.msk [tilespmem:v1+s2+$0x0], $0xffff  }
0x11d: {  	v38 =	vadd.s32 $0x4E20, v6;
	v39 =	vadd.s32 $0x2710, v21;
	v37 =	vadd.s32 $0x4E20, v14;
	[tilespmem:v5+s14+$0x0] =	vst.idx.add.f32.msk $0xffff, v10  }
0x11e: {  	v40 =	vadd.s32 $0x4E20, v8;
	v41 =	vadd.s32 $0x4E20, v9;
	v10 =	vadd.s32 $0x4E20, v7;
	v24 =	vld.idx.msk [tilespmem:v24+s2+$0x0], $0xffff  }
0x11f: {  	v45 =	vadd.s32 $0x2710, v5;
	v43 =	vadd.s32 $0x4E20, v1;
	v44 =	vadd.s32 $0x4E20, v13;
	v42 =	vld.idx.msk [tilespmem:v14+s2+$0x0], $0xffff  }
0x120: {  	v49 =	vadd.s32 $0x4E20, v11;
	v47 =	vadd.s32 $0x4E20, v12;
	v46 =	vadd.s32 $0x4E20, v22;
	v48 =	vld.idx.msk [tilespmem:v13+s2+$0x0], $0xffff  }
0x121: {  	v50 =	vadd.s32 $0x4E20, v18;
	v51 =	vadd.s32 $0x4E20, v2;
	[tilespmem:v12+s14+$0x0] =	vst.idx.add.f32.msk $0xffff, v20;
	v20 =	vadd.s32 $0x4E20, v16  }
0x122: {  	v52 =	vadd.s32 $0x4E20, v21;
	v14 =	vadd.s32 $0x7530, v14;
	[tilespmem:v16+s14+$0x0] =	vst.idx.add.f32.msk $0xffff, v23;
	v23 =	vadd.s32 $0x4E20, v19  }
0x123: {  	v6 =	vadd.s32 $0x7530, v6;
	v8 =	vadd.s32 $0x7530, v8;
	v7 =	vadd.s32 $0x7530, v7;
	[tilespmem:v18+s14+$0x0] =	vst.idx.add.f32.msk $0xffff, v26  }
0x124: {  	v9 =	vadd.s32 $0x7530, v9;
	v13 =	vadd.s32 $0x7530, v13;
	v26 =	vadd.s32 $0x7530, v1;
	[tilespmem:v45+s14+$0x0] =	vst.idx.add.f32.msk $0xffff, v24  }
0x125: {  	v12 =	vadd.s32 $0x7530, v12;
	v16 =	vadd.s32 $0x7530, v16;
	v24 =	vadd.s32 $0x7530, v22;
	v45 =	vld.idx.msk [tilespmem:v49+s2+$0x0], $0xffff  }
0x126: {  	v18 =	vadd.s32 $0x7530, v18;
	[tilespmem:v22+s14+$0x0] =	vst.idx.add.f32.msk $0xffff, v42;
	v22 =	vadd.s32 $0x7530, v2;
	v42 =	vadd.s32 $0x4E20, v5  }
0x127: {  	v11 =	vadd.s32 $0x7530, v11;
	v1 =	vadd.s32 $0x7530, v21;
	[tilespmem:v2+s14+$0x0] =	vst.idx.add.f32.msk $0xffff, v32;
	v2 =	vadd.s32 $0x7530, v19  }
0x128: {  	[tilespmem:v19+s14+$0x0] =	vst.idx.add.f32.msk $0xffff, v35  }
0x129: {  	[tilespmem:v21+s14+$0x0] =	vst.idx.add.f32.msk $0xffff, v48  }
0x12a: {  	v19 =	vld.idx.msk [tilespmem:v25+s2+$0x0], $0xffff  }
0x12b: {  	[tilespmem:v42+s14+$0x0] =	vst.idx.add.f32.msk $0xffff, v45  }
0x12c: {  	v11 =	vld.idx.msk [tilespmem:v11+s2+$0x0], $0xffff  }
0x12d: {  	v5 =	vadd.s32 $0x7530, v5;
	v15 =	vld.idx.msk [tilespmem:v15+s2+$0x0], $0xffff  }
0x12e: {  	v17 =	vld.idx.msk [tilespmem:v17+s2+$0x0], $0xffff  }
0x12f: {  	v4 =	vld.idx.msk [tilespmem:v4+s2+$0x0], $0xffff  }
0x130: {  	v3 =	vld.idx.msk [tilespmem:v3+s2+$0x0], $0xffff  }
0x131: {  	v21 =	vld.idx.msk [tilespmem:v27+s2+$0x0], $0xffff  }
0x132: {  	[tilespmem:v5+s14+$0x0] =	vst.idx.add.f32.msk $0xffff, v11  }
0x133: {  	v5 =	vld.idx.msk [tilespmem:v28+s2+$0x0], $0xffff  }
0x134: {  	[tilespmem:v29+s14+$0x0] =	vst.idx.add.f32.msk $0xffff, v19  }
0x135: {  	[tilespmem:v30+s14+$0x0] =	vst.idx.add.f32.msk $0xffff, v15  }
0x136: {  	[tilespmem:v31+s14+$0x0] =	vst.idx.add.f32.msk $0xffff, v17  }
0x137: {  	[tilespmem:v33+s14+$0x0] =	vst.idx.add.f32.msk $0xffff, v4  }
0x138: {  	[tilespmem:v34+s14+$0x0] =	vst.idx.add.f32.msk $0xffff, v3  }
0x139: {  	[tilespmem:v36+s14+$0x0] =	vst.idx.add.f32.msk $0xffff, v21  }
0x13a: {  	[tilespmem:v39+s14+$0x0] =	vst.idx.add.f32.msk $0xffff, v5  }
0x13b: {  	v3 =	vld.idx.msk [tilespmem:v37+s2+$0x0], $0xffff  }
0x13c: {  	v4 =	vld.idx.msk [tilespmem:v38+s2+$0x0], $0xffff  }
0x13d: {  	v5 =	vld.idx.msk [tilespmem:v10+s2+$0x0], $0xffff  }
0x13e: {  	v10 =	vld.idx.msk [tilespmem:v40+s2+$0x0], $0xffff  }
0x13f: {  	v11 =	vld.idx.msk [tilespmem:v41+s2+$0x0], $0xffff  }
0x140: {  	v15 =	vld.idx.msk [tilespmem:v43+s2+$0x0], $0xffff  }
0x141: {  	v17 =	vld.idx.msk [tilespmem:v44+s2+$0x0], $0xffff  }
0x142: {  	[tilespmem:v46+s14+$0x0] =	vst.idx.add.f32.msk $0xffff, v3  }
0x143: {  	[tilespmem:v47+s14+$0x0] =	vst.idx.add.f32.msk $0xffff, v4  }
0x144: {  	[tilespmem:v20+s14+$0x0] =	vst.idx.add.f32.msk $0xffff, v5  }
0x145: {  	[tilespmem:v50+s14+$0x0] =	vst.idx.add.f32.msk $0xffff, v10  }
0x146: {  	[tilespmem:v51+s14+$0x0] =	vst.idx.add.f32.msk $0xffff, v11  }
0x147: {  	[tilespmem:v23+s14+$0x0] =	vst.idx.add.f32.msk $0xffff, v15  }
0x148: {  	[tilespmem:v52+s14+$0x0] =	vst.idx.add.f32.msk $0xffff, v17  }
0x149: {  	v5 =	vld.idx.msk [tilespmem:v14+s2+$0x0], $0xffff  }
0x14a: {  	v6 =	vld.idx.msk [tilespmem:v6+s2+$0x0], $0xffff  }
0x14b: {  	v7 =	vld.idx.msk [tilespmem:v7+s2+$0x0], $0xffff  }
0x14c: {  	v8 =	vld.idx.msk [tilespmem:v8+s2+$0x0], $0xffff  }
0x14d: {  	v9 =	vld.idx.msk [tilespmem:v9+s2+$0x0], $0xffff  }
0x14e: {  	v4 =	vld.idx.msk [tilespmem:v26+s2+$0x0], $0xffff  }
0x14f: {  	v3 =	vld.idx.msk [tilespmem:v13+s2+$0x0], $0xffff  }
.Ltmp3:
0x150: {  	[tilespmem:v24+s14+$0x0] =	vst.idx.add.f32.msk $0xffff, v5;
	(pc) =	sbr.rel @p0 .LBB2_8-.Ltmp3, $4  }
0x151: {  	[tilespmem:v12+s14+$0x0] =	vst.idx.add.f32.msk $0xffff, v6  }
0x152: {  	[tilespmem:v16+s14+$0x0] =	vst.idx.add.f32.msk $0xffff, v7  }
0x153: {  	[tilespmem:v18+s14+$0x0] =	vst.idx.add.f32.msk $0xffff, v8  }
0x154: {  	s19 =	sadd.s32 $0x80, s19;
	[tilespmem:v22+s14+$0x0] =	vst.idx.add.f32.msk $0xffff, v9  }
0x155: {  	s17 =	sadd.s32 $0x1, s17  }
0x156: {  	p0 =	sne.s32 s17, $0x14  }
.Ltmp4:
0x157: {  	_ = 	snop;
	(pc) =	sbr.rel @p0 .LBB2_5-.Ltmp4, $3  }
0x158: {  	_ =	sdelay $0x1  }
0x159: {  	[tilespmem:v2+s14+$0x0] =	vst.idx.add.f32.msk $0xffff, v4  }
0x15a: {  	[tilespmem:v1+s14+$0x0] =	vst.idx.add.f32.msk $0xffff, v3  }
0x15b: {  	s16 =	sadd.s32 $0x1, s16  }
0x15c: {  	p0 =	sne.s32 s16, s9  }
.Ltmp5:
0x15d: {  	_ = 	snop;
	(pc) =	sbr.rel @p0 .LBB2_2-.Ltmp5, $4  }
0x15e: {  	[hbm4b:s7+s2] =	stream.linear.scatter [tilespmem:s14], [sflag:$0x3], $0x9C40, $0x38;
	[tilespmem:$0x1B580] =	vst v63  }
0x15f: {  	_ =	swait.ge [sflag:s10], $0x9C40  }
0x160: {  	[sflag:s10] =	ssyncset.done $0x0  }
0x161: {  	[sflag:s10] =	ssyncadd.s32 $0xFFFF63C0  }
.LBB2_11:
0x162: {  	_ =	sfence.sel $0x180000  }
0x163: {  	[bflag:$0x0] =	sbarrier.arrive $0xFFFF  }
0x164: {  	p0 =	sne.s32 s1, $0x0;
	_ =	strace $0x90000047  }
0x165: {  	s0 =	sadd.s32 @!p0 $0x100000, s0;
	[bflag:$0x2] =	sbarrier.arrive $0xFFFF  }
0x166: {  	[sflag:s0] =	ssyncadd.tile.s32 @!p0 $0x1;
	_ =	shalt  }
.Lfunc_end2:
_tile_overlayer_lowered:
.L_overlay_start_2:
0x167: {  	(tag) =	ssettag $0x2  }
0x168: {  	s0 =	rddreg [dreg:$0x0];
	s2 =	stileid.u32  }
0x169: {  	s1 =	rddreg [dreg:$0x1];
	p0 =	sne.s32 s2, $0x0  }
0x16a: {  	s3 =	rddreg [dreg:$0x2];
	[bflag:$0x3] =	sbarrier.arrive $0xFFFF;
	s2 =	simm.s32 @!p0 $0x1C03  }
0x16b: {  	[timem:s3], [sflag:s2] =	dma.local @!p0 [hbm:s0], s1  }
0x16c: {  	s0 =	simm.s32 @!p0 $0x3  }
0x16d: {  	_ =	swait.ge @!p0 [sflag:s0], s1  }
0x16e: {  	s1 =	ssub.s32 @!p0 $0x0, s1;
	[sflag:s0] =	ssyncset.done @!p0 $0x0  }
0x16f: {  	[sflag:s0] =	ssyncadd.s32 @!p0 s1  }
0x170: {  	[bflag:$0x3] =	sbarrier.arrive $0xFFFF  }
0x171: {  	_ =	shalt  }

</sc_bundles>
